<compile_context>
chip_gen: v7x
topology: tpu7x:2x2x1
jax: 0.10.2.dev20260603
libtpu: 0.0.44.dev20260713+nightly
codegen_flags: <defaults>
</compile_context>

<pallas_src>
import functools

import jax
import jax.numpy as jnp
from jax import lax
from jax.experimental import pallas as pl
from jax.experimental.pallas import tpu as pltpu
from jax.experimental.pallas import tpu_sc as plsc

_T = 32768
_D = 8
_H = 16
_NW = 32
_CHUNK = _T // _NW
_GROUPS = _CHUNK // 16
_NPARAM = 624
_U = 2

_INV_SQRT2 = 0.7071067811865476


_ERF_C = (1.128379011232563, -0.37612100032956086, 0.11280710237880454,
          -0.026797410208862664, 0.005145198083944558,
          -0.0008020046759769477, 9.827668005490798e-05,
          -8.764117636468984e-06, 4.948812154708894e-07,
          -1.3022841036440953e-08)


def _gelu_erf(u):
    a = jnp.abs(u)
    z = jnp.minimum(a * _INV_SQRT2, 2.5)
    w = z * z
    poly = _ERF_C[-1]
    for c in _ERF_C[-2::-1]:
        poly = poly * w + c
    erf = z * poly
    return 0.5 * (u + a * erf)


def _round_bf16(x):
    xi = lax.bitcast_convert_type(x, jnp.int32)
    xi = xi + (32767 + ((xi >> 16) & 1))
    xi = lax.bitwise_and(xi, jnp.int32(-65536))
    return lax.bitcast_convert_type(xi, jnp.float32)


def _sc_body(x_hbm, p_hbm, out_hbm, *refs):
    x_vs = refs[:_D]
    p_v, acc_v = refs[_D], refs[_D + 1]
    nc = plsc.get_sparse_core_info().num_cores
    wid = lax.axis_index("s") * nc + lax.axis_index("c")
    base = wid * _CHUNK
    for k in range(_D):
        pltpu.sync_copy(x_hbm.at[k, pl.ds(base, _CHUNK)], x_vs[k])
    pltpu.sync_copy(p_hbm, p_v)


    @plsc.parallel_loop(0, _GROUPS // _U, carry=jnp.zeros((16,), jnp.float32))
    def acc(gi, acc):
        tok = gi * (16 * _U)
        xk = [[x_vs[k][pl.ds(tok + 16 * u, 16)] for k in range(_D)]
              for u in range(_U)]
        def ph_a(j, x2flat):
            wj = [p_v[j * _D + k] for k in range(_D)]
            bj = p_v[128 + j]
            cj = [p_v[144 + i * _H + j] for i in range(_D)]
            x2flat = list(x2flat)
            for u in range(_U):
                a = xk[u][0] * wj[0]
                for k in range(1, _D):
                    a = a + xk[u][k] * wj[k]
                hj = _round_bf16(jnp.maximum(a + bj, 0.0))
                for i in range(_D):
                    x2flat[u * _D + i] = x2flat[u * _D + i] + cj[i] * hj
            return tuple(x2flat)

        x2flat = lax.fori_loop(
            0, _H, ph_a,
            tuple(p_v[272 + i] for i in range(_D)) * _U)
        x2 = [[x2flat[u * _D + i] for i in range(_D)] for u in range(_U)]
        gv = [p_v[280 + k] for k in range(_D)]
        gb = p_v[288]
        for u in range(_U):
            for i in range(_D):
                x2[u][i] = _round_bf16(x2[u][i])
        mask = []
        for u in range(_U):
            d = x2[u][0] * gv[0]
            for k in range(1, _D):
                d = d + x2[u][k] * gv[k]
            mask.append((d + gb) >= 0.0)
        c0, c1 = p_v[609], p_v[610]

        def ph_c(j, s):
            jd = j * _D
            w0 = [p_v[289 + jd + k] for k in range(_D)]
            w1 = [p_v[417 + jd + k] for k in range(_D)]
            b0, b1 = p_v[545 + j], p_v[561 + j]
            v0, v1 = p_v[577 + j], p_v[593 + j]
            s = list(s)
            for u in range(_U):
                a0 = x2[u][0] * w0[0]
                a1 = x2[u][0] * w1[0]
                for k in range(1, _D):
                    a0 = a0 + x2[u][k] * w0[k]
                    a1 = a1 + x2[u][k] * w1[k]
                pre = jnp.where(mask[u], a0 + b0, a1 + b1)
                hh = _round_bf16(_gelu_erf(pre))
                s[u] = s[u] + hh * jnp.where(mask[u], v0, v1)
            return tuple(s)

        s = lax.fori_loop(
            0, _H, ph_c,
            tuple(jnp.where(mask[u], c0, c1) for u in range(_U)))
        for u in range(_U):
            acc = acc + s[u]
        return acc

    acc_v[...] = acc
    pltpu.sync_copy(acc_v, out_hbm.at[wid])


@jax.jit
def kernel(inp, W_nm1, b_nm1, W_nm2, b_nm2, Wg, bg, W1, b1, W2, b2):
    inp, W_nm1, W_nm2, Wg, W1 = (_round_bf16(x) for x in
                                 (inp, W_nm1, W_nm2, Wg, W1))
    W2 = _round_bf16(W2)
    g = Wg[0] - Wg[1]
    gb = bg[0] - bg[1]
    v = W2.sum(axis=1)
    c = b2.sum(axis=1)
    params = jnp.concatenate([
        W_nm1.ravel(), b_nm1, W_nm2.ravel(), b_nm2, g, gb[None],
        W1.ravel(), b1.ravel(), v.ravel(), c,
    ])
    params = jnp.pad(params, (0, _NPARAM - params.shape[0]))
    params = jnp.broadcast_to(params[:, None], (_NPARAM, 16))
    xt = inp.T

    run = pl.kernel(
        _sc_body,
        out_type=jax.ShapeDtypeStruct((_NW, 16), jnp.float32),
        mesh=plsc.VectorSubcoreMesh(core_axis_name="c", subcore_axis_name="s"),
        scratch_types=(
            [pltpu.VMEM((_CHUNK,), jnp.float32) for _ in range(_D)]
            + [pltpu.VMEM((_NPARAM, 16), jnp.float32),
               pltpu.VMEM((16,), jnp.float32)]
        ),
    )
    partials = run(xt, params)
    return jnp.sum(partials)

# --- scband reference (transcript-rebuilt; emitter-appended) ---
"""Pipeline reference for scband-dummy-mo-emodel-59742995087814 (READ-ONLY COPY).

The authoritative reference and input builder live on the scoring server;
editing this copy changes nothing except your own understanding.
"""

import jax, jax.numpy as jnp
import numpy as np

T = 32768
D_MODEL = 8
D_HIDDEN = 16
NUM_EXPERT = 2
TOP_K = 1


def setup_inputs(seed: int = 0) -> dict:
    key = jax.random.key(seed)
    ks = jax.random.split(key, 12)
    inp = jax.random.normal(ks[0], (T, D_MODEL), dtype=jnp.float32)
    # non-MoE MLP params: Linear(8,16) -> ReLU -> Linear(16,8)
    W_nm1 = jax.random.normal(ks[1], (16, 8), dtype=jnp.float32) * 0.1
    b_nm1 = jax.random.normal(ks[2], (16,), dtype=jnp.float32) * 0.1
    W_nm2 = jax.random.normal(ks[3], (8, 16), dtype=jnp.float32) * 0.1
    b_nm2 = jax.random.normal(ks[4], (8,), dtype=jnp.float32) * 0.1
    # NaiveGate: Linear(d_model, num_expert * world_size)
    Wg = jax.random.normal(ks[5], (NUM_EXPERT, D_MODEL), dtype=jnp.float32) * 0.1
    bg = jax.random.normal(ks[6], (NUM_EXPERT,), dtype=jnp.float32) * 0.1
    # per-expert FFN: Linear(d_model, d_hidden) -> GELU -> Linear(d_hidden, d_model)
    W1 = jax.random.normal(ks[7], (NUM_EXPERT, D_HIDDEN, D_MODEL), dtype=jnp.float32) * 0.1
    b1 = jax.random.normal(ks[8], (NUM_EXPERT, D_HIDDEN), dtype=jnp.float32) * 0.1
    W2 = jax.random.normal(ks[9], (NUM_EXPERT, D_MODEL, D_HIDDEN), dtype=jnp.float32) * 0.1
    b2 = jax.random.normal(ks[10], (NUM_EXPERT, D_MODEL), dtype=jnp.float32) * 0.1
    return {"inp": inp, "W_nm1": W_nm1, "b_nm1": b_nm1, "W_nm2": W_nm2, "b_nm2": b_nm2,
            "Wg": Wg, "bg": bg, "W1": W1, "b1": b1, "W2": W2, "b2": b2}


def reference(inp, W_nm1, b_nm1, W_nm2, b_nm2, Wg, bg, W1, b1, W2, b2):
    # non-MoE block
    h = jax.nn.relu(inp @ W_nm1.T + b_nm1)
    x = h @ W_nm2.T + b_nm2
    # NaiveGate: linear -> top_k -> softmax over top-k scores
    logits = x @ Wg.T + bg                      # [T, E]
    top_val, top_idx = jax.lax.top_k(logits, TOP_K)  # [T, 1]
    gate_score = jax.nn.softmax(top_val, axis=-1)    # [T, 1] (== 1.0 for top_k=1)
    onehot = jax.nn.one_hot(top_idx[:, 0], NUM_EXPERT, dtype=x.dtype)  # [T, E]
    # expert FFNs (compute all experts, select via dispatch one-hot)
    def expert(w1, bb1, w2, bb2):
        hh = jax.nn.gelu(x @ w1.T + bb1, approximate=False)
        return hh @ w2.T + bb2
    expert_outs = jax.vmap(expert)(W1, b1, W2, b2)   # [E, T, d_model]
    moe_out = jnp.einsum('te,etd->td', onehot, expert_outs) * gate_score
    return jnp.sum(moe_out)

if __name__ == "__main__":
    import jax
    _d = setup_inputs()
    print(jax.jit(kernel)(*tuple(_d.values())))

</pallas_src>

<mosaic_0001>
#map = affine_map<(d0, d1) -> (0, 0)>
module attributes {stable_mosaic.version = 14 : i64} {
  func.func @_sc_body(%arg0: i32, %arg1: i32, %arg2: memref<8x32768xf32, #tpu.memory_space<hbm>>, %arg3: memref<624x16xf32, #tpu.memory_space<hbm>>, %arg4: memref<32x16xf32, #tpu.memory_space<hbm>>, %arg5: memref<1024xf32, #tpu.memory_space<vmem>>, %arg6: memref<1024xf32, #tpu.memory_space<vmem>>, %arg7: memref<1024xf32, #tpu.memory_space<vmem>>, %arg8: memref<1024xf32, #tpu.memory_space<vmem>>, %arg9: memref<1024xf32, #tpu.memory_space<vmem>>, %arg10: memref<1024xf32, #tpu.memory_space<vmem>>, %arg11: memref<1024xf32, #tpu.memory_space<vmem>>, %arg12: memref<1024xf32, #tpu.memory_space<vmem>>, %arg13: memref<624x16xf32, #tpu.memory_space<vmem>>, %arg14: memref<16xf32, #tpu.memory_space<vmem>>) attributes {dimension_semantics = [#tpu.dimension_semantics<core_parallel>, #tpu.dimension_semantics<subcore_parallel>], iteration_bounds = array<i64: 2, 16>, scalar_prefetch = 0 : i64, scratch_operands = 10 : i64, tpu.core_type = #tpu.core_type<sc_vector_subcore>, window_params = [{transform_indices = #map}, {transform_indices = #map}, {transform_indices = #map}]} {
    %mul3A = arith.constant 2 : i32
    %mul3A_0 = arith.muli %arg1, %mul3A : i32
    %add3A = arith.addi %mul3A_0, %arg0 : i32
    %mul3A_1 = arith.constant 1024 : i32
    %mul3A_2 = arith.muli %add3A, %mul3A_1 : i32
    %run_scoped3A = arith.constant 0 : i32
    "tpu.region"() ({
      %run_scoped3A_17 = tpu.sem_alloc : memref<!tpu.dma_semaphore, #tpu.memory_space<semaphore_mem>>
      %dma_start3A = tpu.memref_slice %arg2[%run_scoped3A, %mul3A_2] : memref<8x32768xf32, #tpu.memory_space<hbm>> -> memref<1x1024xf32, #tpu.memory_space<hbm>>
      %dma_start3A_18 = tpu.memref_squeeze %dma_start3A : memref<1x1024xf32, #tpu.memory_space<hbm>> -> memref<1024xf32, #tpu.memory_space<hbm>>
      %dma_start3A_19 = tpu.memref_slice %arg2[%run_scoped3A, %mul3A_2] : memref<8x32768xf32, #tpu.memory_space<hbm>> -> memref<1x1024xf32, #tpu.memory_space<hbm>>
      %dma_start3A_20 = tpu.memref_squeeze %dma_start3A_19 : memref<1x1024xf32, #tpu.memory_space<hbm>> -> memref<1024xf32, #tpu.memory_space<hbm>>
      tpu.enqueue_dma source(%dma_start3A_20 : memref<1024xf32, #tpu.memory_space<hbm>>) target(%arg5 : memref<1024xf32, #tpu.memory_space<vmem>>) target_semaphore(%run_scoped3A_17 : memref<!tpu.dma_semaphore, #tpu.memory_space<semaphore_mem>>)
      %dma_wait3A = tpu.memref_slice %arg2[%run_scoped3A, %mul3A_2] : memref<8x32768xf32, #tpu.memory_space<hbm>> -> memref<1x1024xf32, #tpu.memory_space<hbm>>
      %dma_wait3A_21 = tpu.memref_squeeze %dma_wait3A : memref<1x1024xf32, #tpu.memory_space<hbm>> -> memref<1024xf32, #tpu.memory_space<hbm>>
      %dma_wait3A_22 = tpu.memref_slice %arg2[%run_scoped3A, %mul3A_2] : memref<8x32768xf32, #tpu.memory_space<hbm>> -> memref<1x1024xf32, #tpu.memory_space<hbm>>
      %dma_wait3A_23 = tpu.memref_squeeze %dma_wait3A_22 : memref<1x1024xf32, #tpu.memory_space<hbm>> -> memref<1024xf32, #tpu.memory_space<hbm>>
      tpu.wait_dma2 semaphore(%run_scoped3A_17 : memref<!tpu.dma_semaphore, #tpu.memory_space<semaphore_mem>>) src(%dma_wait3A_23 : memref<1024xf32, #tpu.memory_space<hbm>>) dst(%arg5 : memref<1024xf32, #tpu.memory_space<vmem>>)
      tpu.yield
    }) : () -> ()
    %run_scoped3A_3 = arith.constant 1 : i32
    "tpu.region"() ({
      %run_scoped3A_17 = tpu.sem_alloc : memref<!tpu.dma_semaphore, #tpu.memory_space<semaphore_mem>>
      %dma_start3A = tpu.memref_slice %arg2[%run_scoped3A_3, %mul3A_2] : memref<8x32768xf32, #tpu.memory_space<hbm>> -> memref<1x1024xf32, #tpu.memory_space<hbm>>
      %dma_start3A_18 = tpu.memref_squeeze %dma_start3A : memref<1x1024xf32, #tpu.memory_space<hbm>> -> memref<1024xf32, #tpu.memory_space<hbm>>
      %dma_start3A_19 = tpu.memref_slice %arg2[%run_scoped3A_3, %mul3A_2] : memref<8x32768xf32, #tpu.memory_space<hbm>> -> memref<1x1024xf32, #tpu.memory_space<hbm>>
      %dma_start3A_20 = tpu.memref_squeeze %dma_start3A_19 : memref<1x1024xf32, #tpu.memory_space<hbm>> -> memref<1024xf32, #tpu.memory_space<hbm>>
      tpu.enqueue_dma source(%dma_start3A_20 : memref<1024xf32, #tpu.memory_space<hbm>>) target(%arg6 : memref<1024xf32, #tpu.memory_space<vmem>>) target_semaphore(%run_scoped3A_17 : memref<!tpu.dma_semaphore, #tpu.memory_space<semaphore_mem>>)
      %dma_wait3A = tpu.memref_slice %arg2[%run_scoped3A_3, %mul3A_2] : memref<8x32768xf32, #tpu.memory_space<hbm>> -> memref<1x1024xf32, #tpu.memory_space<hbm>>
      %dma_wait3A_21 = tpu.memref_squeeze %dma_wait3A : memref<1x1024xf32, #tpu.memory_space<hbm>> -> memref<1024xf32, #tpu.memory_space<hbm>>
      %dma_wait3A_22 = tpu.memref_slice %arg2[%run_scoped3A_3, %mul3A_2] : memref<8x32768xf32, #tpu.memory_space<hbm>> -> memref<1x1024xf32, #tpu.memory_space<hbm>>
      %dma_wait3A_23 = tpu.memref_squeeze %dma_wait3A_22 : memref<1x1024xf32, #tpu.memory_space<hbm>> -> memref<1024xf32, #tpu.memory_space<hbm>>
      tpu.wait_dma2 semaphore(%run_scoped3A_17 : memref<!tpu.dma_semaphore, #tpu.memory_space<semaphore_mem>>) src(%dma_wait3A_23 : memref<1024xf32, #tpu.memory_space<hbm>>) dst(%arg6 : memref<1024xf32, #tpu.memory_space<vmem>>)
      tpu.yield
    }) : () -> ()
    %run_scoped3A_4 = arith.constant 2 : i32
    "tpu.region"() ({
      %run_scoped3A_17 = tpu.sem_alloc : memref<!tpu.dma_semaphore, #tpu.memory_space<semaphore_mem>>
      %dma_start3A = tpu.memref_slice %arg2[%run_scoped3A_4, %mul3A_2] : memref<8x32768xf32, #tpu.memory_space<hbm>> -> memref<1x1024xf32, #tpu.memory_space<hbm>>
      %dma_start3A_18 = tpu.memref_squeeze %dma_start3A : memref<1x1024xf32, #tpu.memory_space<hbm>> -> memref<1024xf32, #tpu.memory_space<hbm>>
      %dma_start3A_19 = tpu.memref_slice %arg2[%run_scoped3A_4, %mul3A_2] : memref<8x32768xf32, #tpu.memory_space<hbm>> -> memref<1x1024xf32, #tpu.memory_space<hbm>>
      %dma_start3A_20 = tpu.memref_squeeze %dma_start3A_19 : memref<1x1024xf32, #tpu.memory_space<hbm>> -> memref<1024xf32, #tpu.memory_space<hbm>>
      tpu.enqueue_dma source(%dma_start3A_20 : memref<1024xf32, #tpu.memory_space<hbm>>) target(%arg7 : memref<1024xf32, #tpu.memory_space<vmem>>) target_semaphore(%run_scoped3A_17 : memref<!tpu.dma_semaphore, #tpu.memory_space<semaphore_mem>>)
      %dma_wait3A = tpu.memref_slice %arg2[%run_scoped3A_4, %mul3A_2] : memref<8x32768xf32, #tpu.memory_space<hbm>> -> memref<1x1024xf32, #tpu.memory_space<hbm>>
      %dma_wait3A_21 = tpu.memref_squeeze %dma_wait3A : memref<1x1024xf32, #tpu.memory_space<hbm>> -> memref<1024xf32, #tpu.memory_space<hbm>>
      %dma_wait3A_22 = tpu.memref_slice %arg2[%run_scoped3A_4, %mul3A_2] : memref<8x32768xf32, #tpu.memory_space<hbm>> -> memref<1x1024xf32, #tpu.memory_space<hbm>>
      %dma_wait3A_23 = tpu.memref_squeeze %dma_wait3A_22 : memref<1x1024xf32, #tpu.memory_space<hbm>> -> memref<1024xf32, #tpu.memory_space<hbm>>
      tpu.wait_dma2 semaphore(%run_scoped3A_17 : memref<!tpu.dma_semaphore, #tpu.memory_space<semaphore_mem>>) src(%dma_wait3A_23 : memref<1024xf32, #tpu.memory_space<hbm>>) dst(%arg7 : memref<1024xf32, #tpu.memory_space<vmem>>)
      tpu.yield
    }) : () -> ()
    %run_scoped3A_5 = arith.constant 3 : i32
    "tpu.region"() ({
      %run_scoped3A_17 = tpu.sem_alloc : memref<!tpu.dma_semaphore, #tpu.memory_space<semaphore_mem>>
      %dma_start3A = tpu.memref_slice %arg2[%run_scoped3A_5, %mul3A_2] : memref<8x32768xf32, #tpu.memory_space<hbm>> -> memref<1x1024xf32, #tpu.memory_space<hbm>>
      %dma_start3A_18 = tpu.memref_squeeze %dma_start3A : memref<1x1024xf32, #tpu.memory_space<hbm>> -> memref<1024xf32, #tpu.memory_space<hbm>>
      %dma_start3A_19 = tpu.memref_slice %arg2[%run_scoped3A_5, %mul3A_2] : memref<8x32768xf32, #tpu.memory_space<hbm>> -> memref<1x1024xf32, #tpu.memory_space<hbm>>
      %dma_start3A_20 = tpu.memref_squeeze %dma_start3A_19 : memref<1x1024xf32, #tpu.memory_space<hbm>> -> memref<1024xf32, #tpu.memory_space<hbm>>
      tpu.enqueue_dma source(%dma_start3A_20 : memref<1024xf32, #tpu.memory_space<hbm>>) target(%arg8 : memref<1024xf32, #tpu.memory_space<vmem>>) target_semaphore(%run_scoped3A_17 : memref<!tpu.dma_semaphore, #tpu.memory_space<semaphore_mem>>)
      %dma_wait3A = tpu.memref_slice %arg2[%run_scoped3A_5, %mul3A_2] : memref<8x32768xf32, #tpu.memory_space<hbm>> -> memref<1x1024xf32, #tpu.memory_space<hbm>>
      %dma_wait3A_21 = tpu.memref_squeeze %dma_wait3A : memref<1x1024xf32, #tpu.memory_space<hbm>> -> memref<1024xf32, #tpu.memory_space<hbm>>
      %dma_wait3A_22 = tpu.memref_slice %arg2[%run_scoped3A_5, %mul3A_2] : memref<8x32768xf32, #tpu.memory_space<hbm>> -> memref<1x1024xf32, #tpu.memory_space<hbm>>
      %dma_wait3A_23 = tpu.memref_squeeze %dma_wait3A_22 : memref<1x1024xf32, #tpu.memory_space<hbm>> -> memref<1024xf32, #tpu.memory_space<hbm>>
      tpu.wait_dma2 semaphore(%run_scoped3A_17 : memref<!tpu.dma_semaphore, #tpu.memory_space<semaphore_mem>>) src(%dma_wait3A_23 : memref<1024xf32, #tpu.memory_space<hbm>>) dst(%arg8 : memref<1024xf32, #tpu.memory_space<vmem>>)
      tpu.yield
    }) : () -> ()
    %run_scoped3A_6 = arith.constant 4 : i32
    "tpu.region"() ({
      %run_scoped3A_17 = tpu.sem_alloc : memref<!tpu.dma_semaphore, #tpu.memory_space<semaphore_mem>>
      %dma_start3A = tpu.memref_slice %arg2[%run_scoped3A_6, %mul3A_2] : memref<8x32768xf32, #tpu.memory_space<hbm>> -> memref<1x1024xf32, #tpu.memory_space<hbm>>
      %dma_start3A_18 = tpu.memref_squeeze %dma_start3A : memref<1x1024xf32, #tpu.memory_space<hbm>> -> memref<1024xf32, #tpu.memory_space<hbm>>
      %dma_start3A_19 = tpu.memref_slice %arg2[%run_scoped3A_6, %mul3A_2] : memref<8x32768xf32, #tpu.memory_space<hbm>> -> memref<1x1024xf32, #tpu.memory_space<hbm>>
      %dma_start3A_20 = tpu.memref_squeeze %dma_start3A_19 : memref<1x1024xf32, #tpu.memory_space<hbm>> -> memref<1024xf32, #tpu.memory_space<hbm>>
      tpu.enqueue_dma source(%dma_start3A_20 : memref<1024xf32, #tpu.memory_space<hbm>>) target(%arg9 : memref<1024xf32, #tpu.memory_space<vmem>>) target_semaphore(%run_scoped3A_17 : memref<!tpu.dma_semaphore, #tpu.memory_space<semaphore_mem>>)
      %dma_wait3A = tpu.memref_slice %arg2[%run_scoped3A_6, %mul3A_2] : memref<8x32768xf32, #tpu.memory_space<hbm>> -> memref<1x1024xf32, #tpu.memory_space<hbm>>
      %dma_wait3A_21 = tpu.memref_squeeze %dma_wait3A : memref<1x1024xf32, #tpu.memory_space<hbm>> -> memref<1024xf32, #tpu.memory_space<hbm>>
      %dma_wait3A_22 = tpu.memref_slice %arg2[%run_scoped3A_6, %mul3A_2] : memref<8x32768xf32, #tpu.memory_space<hbm>> -> memref<1x1024xf32, #tpu.memory_space<hbm>>
      %dma_wait3A_23 = tpu.memref_squeeze %dma_wait3A_22 : memref<1x1024xf32, #tpu.memory_space<hbm>> -> memref<1024xf32, #tpu.memory_space<hbm>>
      tpu.wait_dma2 semaphore(%run_scoped3A_17 : memref<!tpu.dma_semaphore, #tpu.memory_space<semaphore_mem>>) src(%dma_wait3A_23 : memref<1024xf32, #tpu.memory_space<hbm>>) dst(%arg9 : memref<1024xf32, #tpu.memory_space<vmem>>)
      tpu.yield
    }) : () -> ()
    %run_scoped3A_7 = arith.constant 5 : i32
    "tpu.region"() ({
      %run_scoped3A_17 = tpu.sem_alloc : memref<!tpu.dma_semaphore, #tpu.memory_space<semaphore_mem>>
      %dma_start3A = tpu.memref_slice %arg2[%run_scoped3A_7, %mul3A_2] : memref<8x32768xf32, #tpu.memory_space<hbm>> -> memref<1x1024xf32, #tpu.memory_space<hbm>>
      %dma_start3A_18 = tpu.memref_squeeze %dma_start3A : memref<1x1024xf32, #tpu.memory_space<hbm>> -> memref<1024xf32, #tpu.memory_space<hbm>>
      %dma_start3A_19 = tpu.memref_slice %arg2[%run_scoped3A_7, %mul3A_2] : memref<8x32768xf32, #tpu.memory_space<hbm>> -> memref<1x1024xf32, #tpu.memory_space<hbm>>
      %dma_start3A_20 = tpu.memref_squeeze %dma_start3A_19 : memref<1x1024xf32, #tpu.memory_space<hbm>> -> memref<1024xf32, #tpu.memory_space<hbm>>
      tpu.enqueue_dma source(%dma_start3A_20 : memref<1024xf32, #tpu.memory_space<hbm>>) target(%arg10 : memref<1024xf32, #tpu.memory_space<vmem>>) target_semaphore(%run_scoped3A_17 : memref<!tpu.dma_semaphore, #tpu.memory_space<semaphore_mem>>)
      %dma_wait3A = tpu.memref_slice %arg2[%run_scoped3A_7, %mul3A_2] : memref<8x32768xf32, #tpu.memory_space<hbm>> -> memref<1x1024xf32, #tpu.memory_space<hbm>>
      %dma_wait3A_21 = tpu.memref_squeeze %dma_wait3A : memref<1x1024xf32, #tpu.memory_space<hbm>> -> memref<1024xf32, #tpu.memory_space<hbm>>
      %dma_wait3A_22 = tpu.memref_slice %arg2[%run_scoped3A_7, %mul3A_2] : memref<8x32768xf32, #tpu.memory_space<hbm>> -> memref<1x1024xf32, #tpu.memory_space<hbm>>
      %dma_wait3A_23 = tpu.memref_squeeze %dma_wait3A_22 : memref<1x1024xf32, #tpu.memory_space<hbm>> -> memref<1024xf32, #tpu.memory_space<hbm>>
      tpu.wait_dma2 semaphore(%run_scoped3A_17 : memref<!tpu.dma_semaphore, #tpu.memory_space<semaphore_mem>>) src(%dma_wait3A_23 : memref<1024xf32, #tpu.memory_space<hbm>>) dst(%arg10 : memref<1024xf32, #tpu.memory_space<vmem>>)
      tpu.yield
    }) : () -> ()
    %run_scoped3A_8 = arith.constant 6 : i32
    "tpu.region"() ({
      %run_scoped3A_17 = tpu.sem_alloc : memref<!tpu.dma_semaphore, #tpu.memory_space<semaphore_mem>>
      %dma_start3A = tpu.memref_slice %arg2[%run_scoped3A_8, %mul3A_2] : memref<8x32768xf32, #tpu.memory_space<hbm>> -> memref<1x1024xf32, #tpu.memory_space<hbm>>
      %dma_start3A_18 = tpu.memref_squeeze %dma_start3A : memref<1x1024xf32, #tpu.memory_space<hbm>> -> memref<1024xf32, #tpu.memory_space<hbm>>
      %dma_start3A_19 = tpu.memref_slice %arg2[%run_scoped3A_8, %mul3A_2] : memref<8x32768xf32, #tpu.memory_space<hbm>> -> memref<1x1024xf32, #tpu.memory_space<hbm>>
      %dma_start3A_20 = tpu.memref_squeeze %dma_start3A_19 : memref<1x1024xf32, #tpu.memory_space<hbm>> -> memref<1024xf32, #tpu.memory_space<hbm>>
      tpu.enqueue_dma source(%dma_start3A_20 : memref<1024xf32, #tpu.memory_space<hbm>>) target(%arg11 : memref<1024xf32, #tpu.memory_space<vmem>>) target_semaphore(%run_scoped3A_17 : memref<!tpu.dma_semaphore, #tpu.memory_space<semaphore_mem>>)
      %dma_wait3A = tpu.memref_slice %arg2[%run_scoped3A_8, %mul3A_2] : memref<8x32768xf32, #tpu.memory_space<hbm>> -> memref<1x1024xf32, #tpu.memory_space<hbm>>
      %dma_wait3A_21 = tpu.memref_squeeze %dma_wait3A : memref<1x1024xf32, #tpu.memory_space<hbm>> -> memref<1024xf32, #tpu.memory_space<hbm>>
      %dma_wait3A_22 = tpu.memref_slice %arg2[%run_scoped3A_8, %mul3A_2] : memref<8x32768xf32, #tpu.memory_space<hbm>> -> memref<1x1024xf32, #tpu.memory_space<hbm>>
      %dma_wait3A_23 = tpu.memref_squeeze %dma_wait3A_22 : memref<1x1024xf32, #tpu.memory_space<hbm>> -> memref<1024xf32, #tpu.memory_space<hbm>>
      tpu.wait_dma2 semaphore(%run_scoped3A_17 : memref<!tpu.dma_semaphore, #tpu.memory_space<semaphore_mem>>) src(%dma_wait3A_23 : memref<1024xf32, #tpu.memory_space<hbm>>) dst(%arg11 : memref<1024xf32, #tpu.memory_space<vmem>>)
      tpu.yield
    }) : () -> ()
    %run_scoped3A_9 = arith.constant 7 : i32
    "tpu.region"() ({
      %run_scoped3A_17 = tpu.sem_alloc : memref<!tpu.dma_semaphore, #tpu.memory_space<semaphore_mem>>
      %dma_start3A = tpu.memref_slice %arg2[%run_scoped3A_9, %mul3A_2] : memref<8x32768xf32, #tpu.memory_space<hbm>> -> memref<1x1024xf32, #tpu.memory_space<hbm>>
      %dma_start3A_18 = tpu.memref_squeeze %dma_start3A : memref<1x1024xf32, #tpu.memory_space<hbm>> -> memref<1024xf32, #tpu.memory_space<hbm>>
      %dma_start3A_19 = tpu.memref_slice %arg2[%run_scoped3A_9, %mul3A_2] : memref<8x32768xf32, #tpu.memory_space<hbm>> -> memref<1x1024xf32, #tpu.memory_space<hbm>>
      %dma_start3A_20 = tpu.memref_squeeze %dma_start3A_19 : memref<1x1024xf32, #tpu.memory_space<hbm>> -> memref<1024xf32, #tpu.memory_space<hbm>>
      tpu.enqueue_dma source(%dma_start3A_20 : memref<1024xf32, #tpu.memory_space<hbm>>) target(%arg12 : memref<1024xf32, #tpu.memory_space<vmem>>) target_semaphore(%run_scoped3A_17 : memref<!tpu.dma_semaphore, #tpu.memory_space<semaphore_mem>>)
      %dma_wait3A = tpu.memref_slice %arg2[%run_scoped3A_9, %mul3A_2] : memref<8x32768xf32, #tpu.memory_space<hbm>> -> memref<1x1024xf32, #tpu.memory_space<hbm>>
      %dma_wait3A_21 = tpu.memref_squeeze %dma_wait3A : memref<1x1024xf32, #tpu.memory_space<hbm>> -> memref<1024xf32, #tpu.memory_space<hbm>>
      %dma_wait3A_22 = tpu.memref_slice %arg2[%run_scoped3A_9, %mul3A_2] : memref<8x32768xf32, #tpu.memory_space<hbm>> -> memref<1x1024xf32, #tpu.memory_space<hbm>>
      %dma_wait3A_23 = tpu.memref_squeeze %dma_wait3A_22 : memref<1x1024xf32, #tpu.memory_space<hbm>> -> memref<1024xf32, #tpu.memory_space<hbm>>
      tpu.wait_dma2 semaphore(%run_scoped3A_17 : memref<!tpu.dma_semaphore, #tpu.memory_space<semaphore_mem>>) src(%dma_wait3A_23 : memref<1024xf32, #tpu.memory_space<hbm>>) dst(%arg12 : memref<1024xf32, #tpu.memory_space<vmem>>)
      tpu.yield
    }) : () -> ()
    "tpu.region"() ({
      %run_scoped3A_17 = tpu.sem_alloc : memref<!tpu.dma_semaphore, #tpu.memory_space<semaphore_mem>>
      tpu.enqueue_dma source(%arg3 : memref<624x16xf32, #tpu.memory_space<hbm>>) target(%arg13 : memref<624x16xf32, #tpu.memory_space<vmem>>) target_semaphore(%run_scoped3A_17 : memref<!tpu.dma_semaphore, #tpu.memory_space<semaphore_mem>>)
      tpu.wait_dma2 semaphore(%run_scoped3A_17 : memref<!tpu.dma_semaphore, #tpu.memory_space<semaphore_mem>>) src(%arg3 : memref<624x16xf32, #tpu.memory_space<hbm>>) dst(%arg13 : memref<624x16xf32, #tpu.memory_space<vmem>>)
      tpu.yield
    }) : () -> ()
    %broadcast_in_dim3A = arith.constant 0.000000e+00 : f32
    %broadcast_in_dim3A_10 = vector.broadcast %broadcast_in_dim3A : f32 to vector<16xf32>
    %parallel_loop3A = arith.constant 0 : i32
    %parallel_loop3A_11 = arith.constant 32 : i32
    %parallel_loop3A_12 = arith.constant 1 : i32
    %parallel_loop3A_13 = scf.for %parallel_loop3A_17 = %parallel_loop3A to %parallel_loop3A_11 step %parallel_loop3A_12 iter_args(%parallel_loop3A_18 = %broadcast_in_dim3A_10) -> (vector<16xf32>)  : i32 {
      %parallel_loop3A_19 = arith.constant 32 : i32
      %parallel_loop3A_20 = arith.muli %parallel_loop3A_17, %parallel_loop3A_19 : i32
      %parallel_loop3A_21 = arith.constant 0 : i32
      %parallel_loop3A_22 = arith.addi %parallel_loop3A_20, %parallel_loop3A_21 : i32
      %parallel_loop3A_23 = arith.index_cast %parallel_loop3A_22 : i32 to index
      %parallel_loop3A_24 = tpu.vector_load %arg5[%parallel_loop3A_23] {strides = array<i32>} : memref<1024xf32, #tpu.memory_space<vmem>>, vector<16xf32>,
      %parallel_loop3A_25 = vector.shape_cast %parallel_loop3A_24 : vector<16xf32> to vector<16xf32>
      %parallel_loop3A_26 = arith.constant 0 : i32
      %parallel_loop3A_27 = arith.addi %parallel_loop3A_20, %parallel_loop3A_26 : i32
      %parallel_loop3A_28 = arith.index_cast %parallel_loop3A_27 : i32 to index
      %parallel_loop3A_29 = tpu.vector_load %arg6[%parallel_loop3A_28] {strides = array<i32>} : memref<1024xf32, #tpu.memory_space<vmem>>, vector<16xf32>,
      %parallel_loop3A_30 = vector.shape_cast %parallel_loop3A_29 : vector<16xf32> to vector<16xf32>
      %parallel_loop3A_31 = arith.constant 0 : i32
      %parallel_loop3A_32 = arith.addi %parallel_loop3A_20, %parallel_loop3A_31 : i32
      %parallel_loop3A_33 = arith.index_cast %parallel_loop3A_32 : i32 to index
      %parallel_loop3A_34 = tpu.vector_load %arg7[%parallel_loop3A_33] {strides = array<i32>} : memref<1024xf32, #tpu.memory_space<vmem>>, vector<16xf32>,
      %parallel_loop3A_35 = vector.shape_cast %parallel_loop3A_34 : vector<16xf32> to vector<16xf32>
      %parallel_loop3A_36 = arith.constant 0 : i32
      %parallel_loop3A_37 = arith.addi %parallel_loop3A_20, %parallel_loop3A_36 : i32
      %parallel_loop3A_38 = arith.index_cast %parallel_loop3A_37 : i32 to index
      %parallel_loop3A_39 = tpu.vector_load %arg8[%parallel_loop3A_38] {strides = array<i32>} : memref<1024xf32, #tpu.memory_space<vmem>>, vector<16xf32>,
      %parallel_loop3A_40 = vector.shape_cast %parallel_loop3A_39 : vector<16xf32> to vector<16xf32>
      %parallel_loop3A_41 = arith.constant 0 : i32
      %parallel_loop3A_42 = arith.addi %parallel_loop3A_20, %parallel_loop3A_41 : i32
      %parallel_loop3A_43 = arith.index_cast %parallel_loop3A_42 : i32 to index
      %parallel_loop3A_44 = tpu.vector_load %arg9[%parallel_loop3A_43] {strides = array<i32>} : memref<1024xf32, #tpu.memory_space<vmem>>, vector<16xf32>,
      %parallel_loop3A_45 = vector.shape_cast %parallel_loop3A_44 : vector<16xf32> to vector<16xf32>
      %parallel_loop3A_46 = arith.constant 0 : i32
      %parallel_loop3A_47 = arith.addi %parallel_loop3A_20, %parallel_loop3A_46 : i32
      %parallel_loop3A_48 = arith.index_cast %parallel_loop3A_47 : i32 to index
      %parallel_loop3A_49 = tpu.vector_load %arg10[%parallel_loop3A_48] {strides = array<i32>} : memref<1024xf32, #tpu.memory_space<vmem>>, vector<16xf32>,
      %parallel_loop3A_50 = vector.shape_cast %parallel_loop3A_49 : vector<16xf32> to vector<16xf32>
      %parallel_loop3A_51 = arith.constant 0 : i32
      %parallel_loop3A_52 = arith.addi %parallel_loop3A_20, %parallel_loop3A_51 : i32
      %parallel_loop3A_53 = arith.index_cast %parallel_loop3A_52 : i32 to index
      %parallel_loop3A_54 = tpu.vector_load %arg11[%parallel_loop3A_53] {strides = array<i32>} : memref<1024xf32, #tpu.memory_space<vmem>>, vector<16xf32>,
      %parallel_loop3A_55 = vector.shape_cast %parallel_loop3A_54 : vector<16xf32> to vector<16xf32>
      %parallel_loop3A_56 = arith.constant 0 : i32
      %parallel_loop3A_57 = arith.addi %parallel_loop3A_20, %parallel_loop3A_56 : i32
      %parallel_loop3A_58 = arith.index_cast %parallel_loop3A_57 : i32 to index
      %parallel_loop3A_59 = tpu.vector_load %arg12[%parallel_loop3A_58] {strides = array<i32>} : memref<1024xf32, #tpu.memory_space<vmem>>, vector<16xf32>,
      %parallel_loop3A_60 = vector.shape_cast %parallel_loop3A_59 : vector<16xf32> to vector<16xf32>
      %parallel_loop3A_61 = arith.constant 16 : i32
      %parallel_loop3A_62 = arith.addi %parallel_loop3A_20, %parallel_loop3A_61 : i32
      %parallel_loop3A_63 = arith.index_cast %parallel_loop3A_62 : i32 to index
      %parallel_loop3A_64 = tpu.vector_load %arg5[%parallel_loop3A_63] {strides = array<i32>} : memref<1024xf32, #tpu.memory_space<vmem>>, vector<16xf32>,
      %parallel_loop3A_65 = vector.shape_cast %parallel_loop3A_64 : vector<16xf32> to vector<16xf32>
      %parallel_loop3A_66 = arith.constant 16 : i32
      %parallel_loop3A_67 = arith.addi %parallel_loop3A_20, %parallel_loop3A_66 : i32
      %parallel_loop3A_68 = arith.index_cast %parallel_loop3A_67 : i32 to index
      %parallel_loop3A_69 = tpu.vector_load %arg6[%parallel_loop3A_68] {strides = array<i32>} : memref<1024xf32, #tpu.memory_space<vmem>>, vector<16xf32>,
      %parallel_loop3A_70 = vector.shape_cast %parallel_loop3A_69 : vector<16xf32> to vector<16xf32>
      %parallel_loop3A_71 = arith.constant 16 : i32
      %parallel_loop3A_72 = arith.addi %parallel_loop3A_20, %parallel_loop3A_71 : i32
      %parallel_loop3A_73 = arith.index_cast %parallel_loop3A_72 : i32 to index
      %parallel_loop3A_74 = tpu.vector_load %arg7[%parallel_loop3A_73] {strides = array<i32>} : memref<1024xf32, #tpu.memory_space<vmem>>, vector<16xf32>,
      %parallel_loop3A_75 = vector.shape_cast %parallel_loop3A_74 : vector<16xf32> to vector<16xf32>
      %parallel_loop3A_76 = arith.constant 16 : i32
      %parallel_loop3A_77 = arith.addi %parallel_loop3A_20, %parallel_loop3A_76 : i32
      %parallel_loop3A_78 = arith.index_cast %parallel_loop3A_77 : i32 to index
      %parallel_loop3A_79 = tpu.vector_load %arg8[%parallel_loop3A_78] {strides = array<i32>} : memref<1024xf32, #tpu.memory_space<vmem>>, vector<16xf32>,
      %parallel_loop3A_80 = vector.shape_cast %parallel_loop3A_79 : vector<16xf32> to vector<16xf32>
      %parallel_loop3A_81 = arith.constant 16 : i32
      %parallel_loop3A_82 = arith.addi %parallel_loop3A_20, %parallel_loop3A_81 : i32
      %parallel_loop3A_83 = arith.index_cast %parallel_loop3A_82 : i32 to index
      %parallel_loop3A_84 = tpu.vector_load %arg9[%parallel_loop3A_83] {strides = array<i32>} : memref<1024xf32, #tpu.memory_space<vmem>>, vector<16xf32>,
      %parallel_loop3A_85 = vector.shape_cast %parallel_loop3A_84 : vector<16xf32> to vector<16xf32>
      %parallel_loop3A_86 = arith.constant 16 : i32
      %parallel_loop3A_87 = arith.addi %parallel_loop3A_20, %parallel_loop3A_86 : i32
      %parallel_loop3A_88 = arith.index_cast %parallel_loop3A_87 : i32 to index
      %parallel_loop3A_89 = tpu.vector_load %arg10[%parallel_loop3A_88] {strides = array<i32>} : memref<1024xf32, #tpu.memory_space<vmem>>, vector<16xf32>,
      %parallel_loop3A_90 = vector.shape_cast %parallel_loop3A_89 : vector<16xf32> to vector<16xf32>
      %parallel_loop3A_91 = arith.constant 16 : i32
      %parallel_loop3A_92 = arith.addi %parallel_loop3A_20, %parallel_loop3A_91 : i32
      %parallel_loop3A_93 = arith.index_cast %parallel_loop3A_92 : i32 to index
      %parallel_loop3A_94 = tpu.vector_load %arg11[%parallel_loop3A_93] {strides = array<i32>} : memref<1024xf32, #tpu.memory_space<vmem>>, vector<16xf32>,
      %parallel_loop3A_95 = vector.shape_cast %parallel_loop3A_94 : vector<16xf32> to vector<16xf32>
      %parallel_loop3A_96 = arith.constant 16 : i32
      %parallel_loop3A_97 = arith.addi %parallel_loop3A_20, %parallel_loop3A_96 : i32
      %parallel_loop3A_98 = arith.index_cast %parallel_loop3A_97 : i32 to index
      %parallel_loop3A_99 = tpu.vector_load %arg12[%parallel_loop3A_98] {strides = array<i32>} : memref<1024xf32, #tpu.memory_space<vmem>>, vector<16xf32>,
      %parallel_loop3A_100 = vector.shape_cast %parallel_loop3A_99 : vector<16xf32> to vector<16xf32>
      %parallel_loop3A_101 = arith.constant 272 : i32
      %parallel_loop3A_102 = arith.index_cast %parallel_loop3A_101 : i32 to index
      %parallel_loop3A_103 = arith.constant 0 : index
      %parallel_loop3A_104 = tpu.vector_load %arg13[%parallel_loop3A_102, %parallel_loop3A_103] {strides = array<i32>} : memref<624x16xf32, #tpu.memory_space<vmem>>, vector<1x16xf32>,
      %parallel_loop3A_105 = vector.shape_cast %parallel_loop3A_104 : vector<1x16xf32> to vector<16xf32>
      %parallel_loop3A_106 = arith.constant 273 : i32
      %parallel_loop3A_107 = arith.index_cast %parallel_loop3A_106 : i32 to index
      %parallel_loop3A_108 = arith.constant 0 : index
      %parallel_loop3A_109 = tpu.vector_load %arg13[%parallel_loop3A_107, %parallel_loop3A_108] {strides = array<i32>} : memref<624x16xf32, #tpu.memory_space<vmem>>, vector<1x16xf32>,
      %parallel_loop3A_110 = vector.shape_cast %parallel_loop3A_109 : vector<1x16xf32> to vector<16xf32>
      %parallel_loop3A_111 = arith.constant 274 : i32
      %parallel_loop3A_112 = arith.index_cast %parallel_loop3A_111 : i32 to index
      %parallel_loop3A_113 = arith.constant 0 : index
      %parallel_loop3A_114 = tpu.vector_load %arg13[%parallel_loop3A_112, %parallel_loop3A_113] {strides = array<i32>} : memref<624x16xf32, #tpu.memory_space<vmem>>, vector<1x16xf32>,
      %parallel_loop3A_115 = vector.shape_cast %parallel_loop3A_114 : vector<1x16xf32> to vector<16xf32>
      %parallel_loop3A_116 = arith.constant 275 : i32
      %parallel_loop3A_117 = arith.index_cast %parallel_loop3A_116 : i32 to index
      %parallel_loop3A_118 = arith.constant 0 : index
      %parallel_loop3A_119 = tpu.vector_load %arg13[%parallel_loop3A_117, %parallel_loop3A_118] {strides = array<i32>} : memref<624x16xf32, #tpu.memory_space<vmem>>, vector<1x16xf32>,
      %parallel_loop3A_120 = vector.shape_cast %parallel_loop3A_119 : vector<1x16xf32> to vector<16xf32>
      %parallel_loop3A_121 = arith.constant 276 : i32
      %parallel_loop3A_122 = arith.index_cast %parallel_loop3A_121 : i32 to index
      %parallel_loop3A_123 = arith.constant 0 : index
      %parallel_loop3A_124 = tpu.vector_load %arg13[%parallel_loop3A_122, %parallel_loop3A_123] {strides = array<i32>} : memref<624x16xf32, #tpu.memory_space<vmem>>, vector<1x16xf32>,
      %parallel_loop3A_125 = vector.shape_cast %parallel_loop3A_124 : vector<1x16xf32> to vector<16xf32>
      %parallel_loop3A_126 = arith.constant 277 : i32
      %parallel_loop3A_127 = arith.index_cast %parallel_loop3A_126 : i32 to index
      %parallel_loop3A_128 = arith.constant 0 : index
      %parallel_loop3A_129 = tpu.vector_load %arg13[%parallel_loop3A_127, %parallel_loop3A_128] {strides = array<i32>} : memref<624x16xf32, #tpu.memory_space<vmem>>, vector<1x16xf32>,
      %parallel_loop3A_130 = vector.shape_cast %parallel_loop3A_129 : vector<1x16xf32> to vector<16xf32>
      %parallel_loop3A_131 = arith.constant 278 : i32
      %parallel_loop3A_132 = arith.index_cast %parallel_loop3A_131 : i32 to index
      %parallel_loop3A_133 = arith.constant 0 : index
      %parallel_loop3A_134 = tpu.vector_load %arg13[%parallel_loop3A_132, %parallel_loop3A_133] {strides = array<i32>} : memref<624x16xf32, #tpu.memory_space<vmem>>, vector<1x16xf32>,
      %parallel_loop3A_135 = vector.shape_cast %parallel_loop3A_134 : vector<1x16xf32> to vector<16xf32>
      %parallel_loop3A_136 = arith.constant 279 : i32
      %parallel_loop3A_137 = arith.index_cast %parallel_loop3A_136 : i32 to index
      %parallel_loop3A_138 = arith.constant 0 : index
      %parallel_loop3A_139 = tpu.vector_load %arg13[%parallel_loop3A_137, %parallel_loop3A_138] {strides = array<i32>} : memref<624x16xf32, #tpu.memory_space<vmem>>, vector<1x16xf32>,
      %parallel_loop3A_140 = vector.shape_cast %parallel_loop3A_139 : vector<1x16xf32> to vector<16xf32>
      %parallel_loop3A_141 = arith.constant 0 : i32
      %parallel_loop3A_142 = arith.constant 16 : i32
      %parallel_loop3A_143 = arith.addi %parallel_loop3A_141, %parallel_loop3A_142 : i32
      %parallel_loop3A_144 = arith.constant 1 : i32
      %parallel_loop3A_145:16 = scf.for %scan3A = %parallel_loop3A_141 to %parallel_loop3A_143 step %parallel_loop3A_144 iter_args(%scan3A_490 = %parallel_loop3A_105, %scan3A_491 = %parallel_loop3A_110, %scan3A_492 = %parallel_loop3A_115, %scan3A_493 = %parallel_loop3A_120, %scan3A_494 = %parallel_loop3A_125, %scan3A_495 = %parallel_loop3A_130, %scan3A_496 = %parallel_loop3A_135, %scan3A_497 = %parallel_loop3A_140, %scan3A_498 = %parallel_loop3A_105, %scan3A_499 = %parallel_loop3A_110, %scan3A_500 = %parallel_loop3A_115, %scan3A_501 = %parallel_loop3A_120, %scan3A_502 = %parallel_loop3A_125, %scan3A_503 = %parallel_loop3A_130, %scan3A_504 = %parallel_loop3A_135, %scan3A_505 = %parallel_loop3A_140) -> (vector<16xf32>, vector<16xf32>, vector<16xf32>, vector<16xf32>, vector<16xf32>, vector<16xf32>, vector<16xf32>, vector<16xf32>, vector<16xf32>, vector<16xf32>, vector<16xf32>, vector<16xf32>, vector<16xf32>, vector<16xf32>, vector<16xf32>, vector<16xf32>)  : i32 {
        %parallel_loop3A_506 = arith.constant 8 : i32
        %parallel_loop3A_507 = arith.muli %scan3A, %parallel_loop3A_506 : i32
        %parallel_loop3A_508 = arith.constant 0 : i32
        %parallel_loop3A_509 = arith.addi %parallel_loop3A_507, %parallel_loop3A_508 : i32
        %parallel_loop3A_510 = arith.index_cast %parallel_loop3A_509 : i32 to index
        %parallel_loop3A_511 = arith.constant 0 : index
        %parallel_loop3A_512 = tpu.vector_load %arg13[%parallel_loop3A_510, %parallel_loop3A_511] {strides = array<i32>} : memref<624x16xf32, #tpu.memory_space<vmem>>, vector<1x16xf32>,
        %parallel_loop3A_513 = vector.shape_cast %parallel_loop3A_512 : vector<1x16xf32> to vector<16xf32>
        %parallel_loop3A_514 = arith.constant 8 : i32
        %parallel_loop3A_515 = arith.muli %scan3A, %parallel_loop3A_514 : i32
        %parallel_loop3A_516 = arith.constant 1 : i32
        %parallel_loop3A_517 = arith.addi %parallel_loop3A_515, %parallel_loop3A_516 : i32
        %parallel_loop3A_518 = arith.index_cast %parallel_loop3A_517 : i32 to index
        %parallel_loop3A_519 = arith.constant 0 : index
        %parallel_loop3A_520 = tpu.vector_load %arg13[%parallel_loop3A_518, %parallel_loop3A_519] {strides = array<i32>} : memref<624x16xf32, #tpu.memory_space<vmem>>, vector<1x16xf32>,
        %parallel_loop3A_521 = vector.shape_cast %parallel_loop3A_520 : vector<1x16xf32> to vector<16xf32>
        %parallel_loop3A_522 = arith.constant 8 : i32
        %parallel_loop3A_523 = arith.muli %scan3A, %parallel_loop3A_522 : i32
        %parallel_loop3A_524 = arith.constant 2 : i32
        %parallel_loop3A_525 = arith.addi %parallel_loop3A_523, %parallel_loop3A_524 : i32
        %parallel_loop3A_526 = arith.index_cast %parallel_loop3A_525 : i32 to index
        %parallel_loop3A_527 = arith.constant 0 : index
        %parallel_loop3A_528 = tpu.vector_load %arg13[%parallel_loop3A_526, %parallel_loop3A_527] {strides = array<i32>} : memref<624x16xf32, #tpu.memory_space<vmem>>, vector<1x16xf32>,
        %parallel_loop3A_529 = vector.shape_cast %parallel_loop3A_528 : vector<1x16xf32> to vector<16xf32>
        %parallel_loop3A_530 = arith.constant 8 : i32
        %parallel_loop3A_531 = arith.muli %scan3A, %parallel_loop3A_530 : i32
        %parallel_loop3A_532 = arith.constant 3 : i32
        %parallel_loop3A_533 = arith.addi %parallel_loop3A_531, %parallel_loop3A_532 : i32
        %parallel_loop3A_534 = arith.index_cast %parallel_loop3A_533 : i32 to index
        %parallel_loop3A_535 = arith.constant 0 : index
        %parallel_loop3A_536 = tpu.vector_load %arg13[%parallel_loop3A_534, %parallel_loop3A_535] {strides = array<i32>} : memref<624x16xf32, #tpu.memory_space<vmem>>, vector<1x16xf32>,
        %parallel_loop3A_537 = vector.shape_cast %parallel_loop3A_536 : vector<1x16xf32> to vector<16xf32>
        %parallel_loop3A_538 = arith.constant 8 : i32
        %parallel_loop3A_539 = arith.muli %scan3A, %parallel_loop3A_538 : i32
        %parallel_loop3A_540 = arith.constant 4 : i32
        %parallel_loop3A_541 = arith.addi %parallel_loop3A_539, %parallel_loop3A_540 : i32
        %parallel_loop3A_542 = arith.index_cast %parallel_loop3A_541 : i32 to index
        %parallel_loop3A_543 = arith.constant 0 : index
        %parallel_loop3A_544 = tpu.vector_load %arg13[%parallel_loop3A_542, %parallel_loop3A_543] {strides = array<i32>} : memref<624x16xf32, #tpu.memory_space<vmem>>, vector<1x16xf32>,
        %parallel_loop3A_545 = vector.shape_cast %parallel_loop3A_544 : vector<1x16xf32> to vector<16xf32>
        %parallel_loop3A_546 = arith.constant 8 : i32
        %parallel_loop3A_547 = arith.muli %scan3A, %parallel_loop3A_546 : i32
        %parallel_loop3A_548 = arith.constant 5 : i32
        %parallel_loop3A_549 = arith.addi %parallel_loop3A_547, %parallel_loop3A_548 : i32
        %parallel_loop3A_550 = arith.index_cast %parallel_loop3A_549 : i32 to index
        %parallel_loop3A_551 = arith.constant 0 : index
        %parallel_loop3A_552 = tpu.vector_load %arg13[%parallel_loop3A_550, %parallel_loop3A_551] {strides = array<i32>} : memref<624x16xf32, #tpu.memory_space<vmem>>, vector<1x16xf32>,
        %parallel_loop3A_553 = vector.shape_cast %parallel_loop3A_552 : vector<1x16xf32> to vector<16xf32>
        %parallel_loop3A_554 = arith.constant 8 : i32
        %parallel_loop3A_555 = arith.muli %scan3A, %parallel_loop3A_554 : i32
        %parallel_loop3A_556 = arith.constant 6 : i32
        %parallel_loop3A_557 = arith.addi %parallel_loop3A_555, %parallel_loop3A_556 : i32
        %parallel_loop3A_558 = arith.index_cast %parallel_loop3A_557 : i32 to index
        %parallel_loop3A_559 = arith.constant 0 : index
        %parallel_loop3A_560 = tpu.vector_load %arg13[%parallel_loop3A_558, %parallel_loop3A_559] {strides = array<i32>} : memref<624x16xf32, #tpu.memory_space<vmem>>, vector<1x16xf32>,
        %parallel_loop3A_561 = vector.shape_cast %parallel_loop3A_560 : vector<1x16xf32> to vector<16xf32>
        %parallel_loop3A_562 = arith.constant 8 : i32
        %parallel_loop3A_563 = arith.muli %scan3A, %parallel_loop3A_562 : i32
        %parallel_loop3A_564 = arith.constant 7 : i32
        %parallel_loop3A_565 = arith.addi %parallel_loop3A_563, %parallel_loop3A_564 : i32
        %parallel_loop3A_566 = arith.index_cast %parallel_loop3A_565 : i32 to index
        %parallel_loop3A_567 = arith.constant 0 : index
        %parallel_loop3A_568 = tpu.vector_load %arg13[%parallel_loop3A_566, %parallel_loop3A_567] {strides = array<i32>} : memref<624x16xf32, #tpu.memory_space<vmem>>, vector<1x16xf32>,
        %parallel_loop3A_569 = vector.shape_cast %parallel_loop3A_568 : vector<1x16xf32> to vector<16xf32>
        %parallel_loop3A_570 = arith.constant 128 : i32
        %parallel_loop3A_571 = arith.addi %parallel_loop3A_570, %scan3A : i32
        %parallel_loop3A_572 = arith.index_cast %parallel_loop3A_571 : i32 to index
        %parallel_loop3A_573 = arith.constant 0 : index
        %parallel_loop3A_574 = tpu.vector_load %arg13[%parallel_loop3A_572, %parallel_loop3A_573] {strides = array<i32>} : memref<624x16xf32, #tpu.memory_space<vmem>>, vector<1x16xf32>,
        %parallel_loop3A_575 = vector.shape_cast %parallel_loop3A_574 : vector<1x16xf32> to vector<16xf32>
        %parallel_loop3A_576 = arith.constant 144 : i32
        %parallel_loop3A_577 = arith.addi %parallel_loop3A_576, %scan3A : i32
        %parallel_loop3A_578 = arith.index_cast %parallel_loop3A_577 : i32 to index
        %parallel_loop3A_579 = arith.constant 0 : index
        %parallel_loop3A_580 = tpu.vector_load %arg13[%parallel_loop3A_578, %parallel_loop3A_579] {strides = array<i32>} : memref<624x16xf32, #tpu.memory_space<vmem>>, vector<1x16xf32>,
        %parallel_loop3A_581 = vector.shape_cast %parallel_loop3A_580 : vector<1x16xf32> to vector<16xf32>
        %parallel_loop3A_582 = arith.constant 160 : i32
        %parallel_loop3A_583 = arith.addi %parallel_loop3A_582, %scan3A : i32
        %parallel_loop3A_584 = arith.index_cast %parallel_loop3A_583 : i32 to index
        %parallel_loop3A_585 = arith.constant 0 : index
        %parallel_loop3A_586 = tpu.vector_load %arg13[%parallel_loop3A_584, %parallel_loop3A_585] {strides = array<i32>} : memref<624x16xf32, #tpu.memory_space<vmem>>, vector<1x16xf32>,
        %parallel_loop3A_587 = vector.shape_cast %parallel_loop3A_586 : vector<1x16xf32> to vector<16xf32>
        %parallel_loop3A_588 = arith.constant 176 : i32
        %parallel_loop3A_589 = arith.addi %parallel_loop3A_588, %scan3A : i32
        %parallel_loop3A_590 = arith.index_cast %parallel_loop3A_589 : i32 to index
        %parallel_loop3A_591 = arith.constant 0 : index
        %parallel_loop3A_592 = tpu.vector_load %arg13[%parallel_loop3A_590, %parallel_loop3A_591] {strides = array<i32>} : memref<624x16xf32, #tpu.memory_space<vmem>>, vector<1x16xf32>,
        %parallel_loop3A_593 = vector.shape_cast %parallel_loop3A_592 : vector<1x16xf32> to vector<16xf32>
        %parallel_loop3A_594 = arith.constant 192 : i32
        %parallel_loop3A_595 = arith.addi %parallel_loop3A_594, %scan3A : i32
        %parallel_loop3A_596 = arith.index_cast %parallel_loop3A_595 : i32 to index
        %parallel_loop3A_597 = arith.constant 0 : index
        %parallel_loop3A_598 = tpu.vector_load %arg13[%parallel_loop3A_596, %parallel_loop3A_597] {strides = array<i32>} : memref<624x16xf32, #tpu.memory_space<vmem>>, vector<1x16xf32>,
        %parallel_loop3A_599 = vector.shape_cast %parallel_loop3A_598 : vector<1x16xf32> to vector<16xf32>
        %parallel_loop3A_600 = arith.constant 208 : i32
        %parallel_loop3A_601 = arith.addi %parallel_loop3A_600, %scan3A : i32
        %parallel_loop3A_602 = arith.index_cast %parallel_loop3A_601 : i32 to index
        %parallel_loop3A_603 = arith.constant 0 : index
        %parallel_loop3A_604 = tpu.vector_load %arg13[%parallel_loop3A_602, %parallel_loop3A_603] {strides = array<i32>} : memref<624x16xf32, #tpu.memory_space<vmem>>, vector<1x16xf32>,
        %parallel_loop3A_605 = vector.shape_cast %parallel_loop3A_604 : vector<1x16xf32> to vector<16xf32>
        %parallel_loop3A_606 = arith.constant 224 : i32
        %parallel_loop3A_607 = arith.addi %parallel_loop3A_606, %scan3A : i32
        %parallel_loop3A_608 = arith.index_cast %parallel_loop3A_607 : i32 to index
        %parallel_loop3A_609 = arith.constant 0 : index
        %parallel_loop3A_610 = tpu.vector_load %arg13[%parallel_loop3A_608, %parallel_loop3A_609] {strides = array<i32>} : memref<624x16xf32, #tpu.memory_space<vmem>>, vector<1x16xf32>,
        %parallel_loop3A_611 = vector.shape_cast %parallel_loop3A_610 : vector<1x16xf32> to vector<16xf32>
        %parallel_loop3A_612 = arith.constant 240 : i32
        %parallel_loop3A_613 = arith.addi %parallel_loop3A_612, %scan3A : i32
        %parallel_loop3A_614 = arith.index_cast %parallel_loop3A_613 : i32 to index
        %parallel_loop3A_615 = arith.constant 0 : index
        %parallel_loop3A_616 = tpu.vector_load %arg13[%parallel_loop3A_614, %parallel_loop3A_615] {strides = array<i32>} : memref<624x16xf32, #tpu.memory_space<vmem>>, vector<1x16xf32>,
        %parallel_loop3A_617 = vector.shape_cast %parallel_loop3A_616 : vector<1x16xf32> to vector<16xf32>
        %parallel_loop3A_618 = arith.constant 256 : i32
        %parallel_loop3A_619 = arith.addi %parallel_loop3A_618, %scan3A : i32
        %parallel_loop3A_620 = arith.index_cast %parallel_loop3A_619 : i32 to index
        %parallel_loop3A_621 = arith.constant 0 : index
        %parallel_loop3A_622 = tpu.vector_load %arg13[%parallel_loop3A_620, %parallel_loop3A_621] {strides = array<i32>} : memref<624x16xf32, #tpu.memory_space<vmem>>, vector<1x16xf32>,
        %parallel_loop3A_623 = vector.shape_cast %parallel_loop3A_622 : vector<1x16xf32> to vector<16xf32>
        %parallel_loop3A_624 = arith.mulf %parallel_loop3A_25, %parallel_loop3A_513 : vector<16xf32>
        %parallel_loop3A_625 = arith.mulf %parallel_loop3A_30, %parallel_loop3A_521 : vector<16xf32>
        %parallel_loop3A_626 = arith.addf %parallel_loop3A_624, %parallel_loop3A_625 : vector<16xf32>
        %parallel_loop3A_627 = arith.mulf %parallel_loop3A_35, %parallel_loop3A_529 : vector<16xf32>
        %parallel_loop3A_628 = arith.addf %parallel_loop3A_626, %parallel_loop3A_627 : vector<16xf32>
        %parallel_loop3A_629 = arith.mulf %parallel_loop3A_40, %parallel_loop3A_537 : vector<16xf32>
        %parallel_loop3A_630 = arith.addf %parallel_loop3A_628, %parallel_loop3A_629 : vector<16xf32>
        %parallel_loop3A_631 = arith.mulf %parallel_loop3A_45, %parallel_loop3A_545 : vector<16xf32>
        %parallel_loop3A_632 = arith.addf %parallel_loop3A_630, %parallel_loop3A_631 : vector<16xf32>
        %parallel_loop3A_633 = arith.mulf %parallel_loop3A_50, %parallel_loop3A_553 : vector<16xf32>
        %parallel_loop3A_634 = arith.addf %parallel_loop3A_632, %parallel_loop3A_633 : vector<16xf32>
        %parallel_loop3A_635 = arith.mulf %parallel_loop3A_55, %parallel_loop3A_561 : vector<16xf32>
        %parallel_loop3A_636 = arith.addf %parallel_loop3A_634, %parallel_loop3A_635 : vector<16xf32>
        %parallel_loop3A_637 = arith.mulf %parallel_loop3A_60, %parallel_loop3A_569 : vector<16xf32>
        %parallel_loop3A_638 = arith.addf %parallel_loop3A_636, %parallel_loop3A_637 : vector<16xf32>
        %parallel_loop3A_639 = arith.addf %parallel_loop3A_638, %parallel_loop3A_575 : vector<16xf32>
        %parallel_loop3A_640 = arith.constant 0.000000e+00 : f32
        %parallel_loop3A_641 = vector.broadcast %parallel_loop3A_640 : f32 to vector<16xf32>
        %parallel_loop3A_642 = arith.maximumf %parallel_loop3A_639, %parallel_loop3A_641 : vector<16xf32>
        %parallel_loop3A_643 = tpu.bitcast %parallel_loop3A_642 : vector<16xf32> -> vector<16xi32>
        %parallel_loop3A_644 = arith.constant 16 : i32
        %parallel_loop3A_645 = vector.broadcast %parallel_loop3A_644 : i32 to vector<16xi32>
        %parallel_loop3A_646 = arith.shrsi %parallel_loop3A_643, %parallel_loop3A_645 : vector<16xi32>
        %parallel_loop3A_647 = arith.constant 1 : i32
        %parallel_loop3A_648 = vector.broadcast %parallel_loop3A_647 : i32 to vector<16xi32>
        %parallel_loop3A_649 = arith.andi %parallel_loop3A_646, %parallel_loop3A_648 : vector<16xi32>
        %parallel_loop3A_650 = arith.constant 32767 : i32
        %parallel_loop3A_651 = vector.broadcast %parallel_loop3A_650 : i32 to vector<16xi32>
        %parallel_loop3A_652 = arith.addi %parallel_loop3A_651, %parallel_loop3A_649 : vector<16xi32>
        %parallel_loop3A_653 = arith.addi %parallel_loop3A_643, %parallel_loop3A_652 : vector<16xi32>
        %parallel_loop3A_654 = arith.constant -65536 : i32
        %parallel_loop3A_655 = vector.broadcast %parallel_loop3A_654 : i32 to vector<16xi32>
        %parallel_loop3A_656 = arith.andi %parallel_loop3A_653, %parallel_loop3A_655 : vector<16xi32>
        %parallel_loop3A_657 = tpu.bitcast %parallel_loop3A_656 : vector<16xi32> -> vector<16xf32>
        %parallel_loop3A_658 = arith.mulf %parallel_loop3A_581, %parallel_loop3A_657 : vector<16xf32>
        %parallel_loop3A_659 = arith.addf %scan3A_490, %parallel_loop3A_658 : vector<16xf32>
        %parallel_loop3A_660 = arith.mulf %parallel_loop3A_587, %parallel_loop3A_657 : vector<16xf32>
        %parallel_loop3A_661 = arith.addf %scan3A_491, %parallel_loop3A_660 : vector<16xf32>
        %parallel_loop3A_662 = arith.mulf %parallel_loop3A_593, %parallel_loop3A_657 : vector<16xf32>
        %parallel_loop3A_663 = arith.addf %scan3A_492, %parallel_loop3A_662 : vector<16xf32>
        %parallel_loop3A_664 = arith.mulf %parallel_loop3A_599, %parallel_loop3A_657 : vector<16xf32>
        %parallel_loop3A_665 = arith.addf %scan3A_493, %parallel_loop3A_664 : vector<16xf32>
        %parallel_loop3A_666 = arith.mulf %parallel_loop3A_605, %parallel_loop3A_657 : vector<16xf32>
        %parallel_loop3A_667 = arith.addf %scan3A_494, %parallel_loop3A_666 : vector<16xf32>
        %parallel_loop3A_668 = arith.mulf %parallel_loop3A_611, %parallel_loop3A_657 : vector<16xf32>
        %parallel_loop3A_669 = arith.addf %scan3A_495, %parallel_loop3A_668 : vector<16xf32>
        %parallel_loop3A_670 = arith.mulf %parallel_loop3A_617, %parallel_loop3A_657 : vector<16xf32>
        %parallel_loop3A_671 = arith.addf %scan3A_496, %parallel_loop3A_670 : vector<16xf32>
        %parallel_loop3A_672 = arith.mulf %parallel_loop3A_623, %parallel_loop3A_657 : vector<16xf32>
        %parallel_loop3A_673 = arith.addf %scan3A_497, %parallel_loop3A_672 : vector<16xf32>
        %parallel_loop3A_674 = arith.mulf %parallel_loop3A_65, %parallel_loop3A_513 : vector<16xf32>
        %parallel_loop3A_675 = arith.mulf %parallel_loop3A_70, %parallel_loop3A_521 : vector<16xf32>
        %parallel_loop3A_676 = arith.addf %parallel_loop3A_674, %parallel_loop3A_675 : vector<16xf32>
        %parallel_loop3A_677 = arith.mulf %parallel_loop3A_75, %parallel_loop3A_529 : vector<16xf32>
        %parallel_loop3A_678 = arith.addf %parallel_loop3A_676, %parallel_loop3A_677 : vector<16xf32>
        %parallel_loop3A_679 = arith.mulf %parallel_loop3A_80, %parallel_loop3A_537 : vector<16xf32>
        %parallel_loop3A_680 = arith.addf %parallel_loop3A_678, %parallel_loop3A_679 : vector<16xf32>
        %parallel_loop3A_681 = arith.mulf %parallel_loop3A_85, %parallel_loop3A_545 : vector<16xf32>
        %parallel_loop3A_682 = arith.addf %parallel_loop3A_680, %parallel_loop3A_681 : vector<16xf32>
        %parallel_loop3A_683 = arith.mulf %parallel_loop3A_90, %parallel_loop3A_553 : vector<16xf32>
        %parallel_loop3A_684 = arith.addf %parallel_loop3A_682, %parallel_loop3A_683 : vector<16xf32>
        %parallel_loop3A_685 = arith.mulf %parallel_loop3A_95, %parallel_loop3A_561 : vector<16xf32>
        %parallel_loop3A_686 = arith.addf %parallel_loop3A_684, %parallel_loop3A_685 : vector<16xf32>
        %parallel_loop3A_687 = arith.mulf %parallel_loop3A_100, %parallel_loop3A_569 : vector<16xf32>
        %parallel_loop3A_688 = arith.addf %parallel_loop3A_686, %parallel_loop3A_687 : vector<16xf32>
        %parallel_loop3A_689 = arith.addf %parallel_loop3A_688, %parallel_loop3A_575 : vector<16xf32>
        %parallel_loop3A_690 = arith.constant 0.000000e+00 : f32
        %parallel_loop3A_691 = vector.broadcast %parallel_loop3A_690 : f32 to vector<16xf32>
        %parallel_loop3A_692 = arith.maximumf %parallel_loop3A_689, %parallel_loop3A_691 : vector<16xf32>
        %parallel_loop3A_693 = tpu.bitcast %parallel_loop3A_692 : vector<16xf32> -> vector<16xi32>
        %parallel_loop3A_694 = arith.constant 16 : i32
        %parallel_loop3A_695 = vector.broadcast %parallel_loop3A_694 : i32 to vector<16xi32>
        %parallel_loop3A_696 = arith.shrsi %parallel_loop3A_693, %parallel_loop3A_695 : vector<16xi32>
        %parallel_loop3A_697 = arith.constant 1 : i32
        %parallel_loop3A_698 = vector.broadcast %parallel_loop3A_697 : i32 to vector<16xi32>
        %parallel_loop3A_699 = arith.andi %parallel_loop3A_696, %parallel_loop3A_698 : vector<16xi32>
        %parallel_loop3A_700 = arith.constant 32767 : i32
        %parallel_loop3A_701 = vector.broadcast %parallel_loop3A_700 : i32 to vector<16xi32>
        %parallel_loop3A_702 = arith.addi %parallel_loop3A_701, %parallel_loop3A_699 : vector<16xi32>
        %parallel_loop3A_703 = arith.addi %parallel_loop3A_693, %parallel_loop3A_702 : vector<16xi32>
        %parallel_loop3A_704 = arith.constant -65536 : i32
        %parallel_loop3A_705 = vector.broadcast %parallel_loop3A_704 : i32 to vector<16xi32>
        %parallel_loop3A_706 = arith.andi %parallel_loop3A_703, %parallel_loop3A_705 : vector<16xi32>
        %parallel_loop3A_707 = tpu.bitcast %parallel_loop3A_706 : vector<16xi32> -> vector<16xf32>
        %parallel_loop3A_708 = arith.mulf %parallel_loop3A_581, %parallel_loop3A_707 : vector<16xf32>
        %parallel_loop3A_709 = arith.addf %scan3A_498, %parallel_loop3A_708 : vector<16xf32>
        %parallel_loop3A_710 = arith.mulf %parallel_loop3A_587, %parallel_loop3A_707 : vector<16xf32>
        %parallel_loop3A_711 = arith.addf %scan3A_499, %parallel_loop3A_710 : vector<16xf32>
        %parallel_loop3A_712 = arith.mulf %parallel_loop3A_593, %parallel_loop3A_707 : vector<16xf32>
        %parallel_loop3A_713 = arith.addf %scan3A_500, %parallel_loop3A_712 : vector<16xf32>
        %parallel_loop3A_714 = arith.mulf %parallel_loop3A_599, %parallel_loop3A_707 : vector<16xf32>
        %parallel_loop3A_715 = arith.addf %scan3A_501, %parallel_loop3A_714 : vector<16xf32>
        %parallel_loop3A_716 = arith.mulf %parallel_loop3A_605, %parallel_loop3A_707 : vector<16xf32>
        %parallel_loop3A_717 = arith.addf %scan3A_502, %parallel_loop3A_716 : vector<16xf32>
        %parallel_loop3A_718 = arith.mulf %parallel_loop3A_611, %parallel_loop3A_707 : vector<16xf32>
        %parallel_loop3A_719 = arith.addf %scan3A_503, %parallel_loop3A_718 : vector<16xf32>
        %parallel_loop3A_720 = arith.mulf %parallel_loop3A_617, %parallel_loop3A_707 : vector<16xf32>
        %parallel_loop3A_721 = arith.addf %scan3A_504, %parallel_loop3A_720 : vector<16xf32>
        %parallel_loop3A_722 = arith.mulf %parallel_loop3A_623, %parallel_loop3A_707 : vector<16xf32>
        %parallel_loop3A_723 = arith.addf %scan3A_505, %parallel_loop3A_722 : vector<16xf32>
        scf.yield %parallel_loop3A_659, %parallel_loop3A_661, %parallel_loop3A_663, %parallel_loop3A_665, %parallel_loop3A_667, %parallel_loop3A_669, %parallel_loop3A_671, %parallel_loop3A_673, %parallel_loop3A_709, %parallel_loop3A_711, %parallel_loop3A_713, %parallel_loop3A_715, %parallel_loop3A_717, %parallel_loop3A_719, %parallel_loop3A_721, %parallel_loop3A_723 : vector<16xf32>, vector<16xf32>, vector<16xf32>, vector<16xf32>, vector<16xf32>, vector<16xf32>, vector<16xf32>, vector<16xf32>, vector<16xf32>, vector<16xf32>, vector<16xf32>, vector<16xf32>, vector<16xf32>, vector<16xf32>, vector<16xf32>, vector<16xf32>
      }
      %parallel_loop3A_146 = arith.constant 16 : i32
      %parallel_loop3A_147 = arith.constant 280 : i32
      %parallel_loop3A_148 = arith.index_cast %parallel_loop3A_147 : i32 to index
      %parallel_loop3A_149 = arith.constant 0 : index
      %parallel_loop3A_150 = tpu.vector_load %arg13[%parallel_loop3A_148, %parallel_loop3A_149] {strides = array<i32>} : memref<624x16xf32, #tpu.memory_space<vmem>>, vector<1x16xf32>,
      %parallel_loop3A_151 = vector.shape_cast %parallel_loop3A_150 : vector<1x16xf32> to vector<16xf32>
      %parallel_loop3A_152 = arith.constant 281 : i32
      %parallel_loop3A_153 = arith.index_cast %parallel_loop3A_152 : i32 to index
      %parallel_loop3A_154 = arith.constant 0 : index
      %parallel_loop3A_155 = tpu.vector_load %arg13[%parallel_loop3A_153, %parallel_loop3A_154] {strides = array<i32>} : memref<624x16xf32, #tpu.memory_space<vmem>>, vector<1x16xf32>,
      %parallel_loop3A_156 = vector.shape_cast %parallel_loop3A_155 : vector<1x16xf32> to vector<16xf32>
      %parallel_loop3A_157 = arith.constant 282 : i32
      %parallel_loop3A_158 = arith.index_cast %parallel_loop3A_157 : i32 to index
      %parallel_loop3A_159 = arith.constant 0 : index
      %parallel_loop3A_160 = tpu.vector_load %arg13[%parallel_loop3A_158, %parallel_loop3A_159] {strides = array<i32>} : memref<624x16xf32, #tpu.memory_space<vmem>>, vector<1x16xf32>,
      %parallel_loop3A_161 = vector.shape_cast %parallel_loop3A_160 : vector<1x16xf32> to vector<16xf32>
      %parallel_loop3A_162 = arith.constant 283 : i32
      %parallel_loop3A_163 = arith.index_cast %parallel_loop3A_162 : i32 to index
      %parallel_loop3A_164 = arith.constant 0 : index
      %parallel_loop3A_165 = tpu.vector_load %arg13[%parallel_loop3A_163, %parallel_loop3A_164] {strides = array<i32>} : memref<624x16xf32, #tpu.memory_space<vmem>>, vector<1x16xf32>,
      %parallel_loop3A_166 = vector.shape_cast %parallel_loop3A_165 : vector<1x16xf32> to vector<16xf32>
      %parallel_loop3A_167 = arith.constant 284 : i32
      %parallel_loop3A_168 = arith.index_cast %parallel_loop3A_167 : i32 to index
      %parallel_loop3A_169 = arith.constant 0 : index
      %parallel_loop3A_170 = tpu.vector_load %arg13[%parallel_loop3A_168, %parallel_loop3A_169] {strides = array<i32>} : memref<624x16xf32, #tpu.memory_space<vmem>>, vector<1x16xf32>,
      %parallel_loop3A_171 = vector.shape_cast %parallel_loop3A_170 : vector<1x16xf32> to vector<16xf32>
      %parallel_loop3A_172 = arith.constant 285 : i32
      %parallel_loop3A_173 = arith.index_cast %parallel_loop3A_172 : i32 to index
      %parallel_loop3A_174 = arith.constant 0 : index
      %parallel_loop3A_175 = tpu.vector_load %arg13[%parallel_loop3A_173, %parallel_loop3A_174] {strides = array<i32>} : memref<624x16xf32, #tpu.memory_space<vmem>>, vector<1x16xf32>,
      %parallel_loop3A_176 = vector.shape_cast %parallel_loop3A_175 : vector<1x16xf32> to vector<16xf32>
      %parallel_loop3A_177 = arith.constant 286 : i32
      %parallel_loop3A_178 = arith.index_cast %parallel_loop3A_177 : i32 to index
      %parallel_loop3A_179 = arith.constant 0 : index
      %parallel_loop3A_180 = tpu.vector_load %arg13[%parallel_loop3A_178, %parallel_loop3A_179] {strides = array<i32>} : memref<624x16xf32, #tpu.memory_space<vmem>>, vector<1x16xf32>,
      %parallel_loop3A_181 = vector.shape_cast %parallel_loop3A_180 : vector<1x16xf32> to vector<16xf32>
      %parallel_loop3A_182 = arith.constant 287 : i32
      %parallel_loop3A_183 = arith.index_cast %parallel_loop3A_182 : i32 to index
      %parallel_loop3A_184 = arith.constant 0 : index
      %parallel_loop3A_185 = tpu.vector_load %arg13[%parallel_loop3A_183, %parallel_loop3A_184] {strides = array<i32>} : memref<624x16xf32, #tpu.memory_space<vmem>>, vector<1x16xf32>,
      %parallel_loop3A_186 = vector.shape_cast %parallel_loop3A_185 : vector<1x16xf32> to vector<16xf32>
      %parallel_loop3A_187 = arith.constant 288 : i32
      %parallel_loop3A_188 = arith.index_cast %parallel_loop3A_187 : i32 to index
      %parallel_loop3A_189 = arith.constant 0 : index
      %parallel_loop3A_190 = tpu.vector_load %arg13[%parallel_loop3A_188, %parallel_loop3A_189] {strides = array<i32>} : memref<624x16xf32, #tpu.memory_space<vmem>>, vector<1x16xf32>,
      %parallel_loop3A_191 = vector.shape_cast %parallel_loop3A_190 : vector<1x16xf32> to vector<16xf32>
      %parallel_loop3A_192 = tpu.bitcast %parallel_loop3A_145#0 : vector<16xf32> -> vector<16xi32>
      %parallel_loop3A_193 = arith.constant 16 : i32
      %parallel_loop3A_194 = vector.broadcast %parallel_loop3A_193 : i32 to vector<16xi32>
      %parallel_loop3A_195 = arith.shrsi %parallel_loop3A_192, %parallel_loop3A_194 : vector<16xi32>
      %parallel_loop3A_196 = arith.constant 1 : i32
      %parallel_loop3A_197 = vector.broadcast %parallel_loop3A_196 : i32 to vector<16xi32>
      %parallel_loop3A_198 = arith.andi %parallel_loop3A_195, %parallel_loop3A_197 : vector<16xi32>
      %parallel_loop3A_199 = arith.constant 32767 : i32
      %parallel_loop3A_200 = vector.broadcast %parallel_loop3A_199 : i32 to vector<16xi32>
      %parallel_loop3A_201 = arith.addi %parallel_loop3A_200, %parallel_loop3A_198 : vector<16xi32>
      %parallel_loop3A_202 = arith.addi %parallel_loop3A_192, %parallel_loop3A_201 : vector<16xi32>
      %parallel_loop3A_203 = arith.constant -65536 : i32
      %parallel_loop3A_204 = vector.broadcast %parallel_loop3A_203 : i32 to vector<16xi32>
      %parallel_loop3A_205 = arith.andi %parallel_loop3A_202, %parallel_loop3A_204 : vector<16xi32>
      %parallel_loop3A_206 = tpu.bitcast %parallel_loop3A_205 : vector<16xi32> -> vector<16xf32>
      %parallel_loop3A_207 = tpu.bitcast %parallel_loop3A_145#1 : vector<16xf32> -> vector<16xi32>
      %parallel_loop3A_208 = arith.constant 16 : i32
      %parallel_loop3A_209 = vector.broadcast %parallel_loop3A_208 : i32 to vector<16xi32>
      %parallel_loop3A_210 = arith.shrsi %parallel_loop3A_207, %parallel_loop3A_209 : vector<16xi32>
      %parallel_loop3A_211 = arith.constant 1 : i32
      %parallel_loop3A_212 = vector.broadcast %parallel_loop3A_211 : i32 to vector<16xi32>
      %parallel_loop3A_213 = arith.andi %parallel_loop3A_210, %parallel_loop3A_212 : vector<16xi32>
      %parallel_loop3A_214 = arith.constant 32767 : i32
      %parallel_loop3A_215 = vector.broadcast %parallel_loop3A_214 : i32 to vector<16xi32>
      %parallel_loop3A_216 = arith.addi %parallel_loop3A_215, %parallel_loop3A_213 : vector<16xi32>
      %parallel_loop3A_217 = arith.addi %parallel_loop3A_207, %parallel_loop3A_216 : vector<16xi32>
      %parallel_loop3A_218 = arith.constant -65536 : i32
      %parallel_loop3A_219 = vector.broadcast %parallel_loop3A_218 : i32 to vector<16xi32>
      %parallel_loop3A_220 = arith.andi %parallel_loop3A_217, %parallel_loop3A_219 : vector<16xi32>
      %parallel_loop3A_221 = tpu.bitcast %parallel_loop3A_220 : vector<16xi32> -> vector<16xf32>
      %parallel_loop3A_222 = tpu.bitcast %parallel_loop3A_145#2 : vector<16xf32> -> vector<16xi32>
      %parallel_loop3A_223 = arith.constant 16 : i32
      %parallel_loop3A_224 = vector.broadcast %parallel_loop3A_223 : i32 to vector<16xi32>
      %parallel_loop3A_225 = arith.shrsi %parallel_loop3A_222, %parallel_loop3A_224 : vector<16xi32>
      %parallel_loop3A_226 = arith.constant 1 : i32
      %parallel_loop3A_227 = vector.broadcast %parallel_loop3A_226 : i32 to vector<16xi32>
      %parallel_loop3A_228 = arith.andi %parallel_loop3A_225, %parallel_loop3A_227 : vector<16xi32>
      %parallel_loop3A_229 = arith.constant 32767 : i32
      %parallel_loop3A_230 = vector.broadcast %parallel_loop3A_229 : i32 to vector<16xi32>
      %parallel_loop3A_231 = arith.addi %parallel_loop3A_230, %parallel_loop3A_228 : vector<16xi32>
      %parallel_loop3A_232 = arith.addi %parallel_loop3A_222, %parallel_loop3A_231 : vector<16xi32>
      %parallel_loop3A_233 = arith.constant -65536 : i32
      %parallel_loop3A_234 = vector.broadcast %parallel_loop3A_233 : i32 to vector<16xi32>
      %parallel_loop3A_235 = arith.andi %parallel_loop3A_232, %parallel_loop3A_234 : vector<16xi32>
      %parallel_loop3A_236 = tpu.bitcast %parallel_loop3A_235 : vector<16xi32> -> vector<16xf32>
      %parallel_loop3A_237 = tpu.bitcast %parallel_loop3A_145#3 : vector<16xf32> -> vector<16xi32>
      %parallel_loop3A_238 = arith.constant 16 : i32
      %parallel_loop3A_239 = vector.broadcast %parallel_loop3A_238 : i32 to vector<16xi32>
      %parallel_loop3A_240 = arith.shrsi %parallel_loop3A_237, %parallel_loop3A_239 : vector<16xi32>
      %parallel_loop3A_241 = arith.constant 1 : i32
      %parallel_loop3A_242 = vector.broadcast %parallel_loop3A_241 : i32 to vector<16xi32>
      %parallel_loop3A_243 = arith.andi %parallel_loop3A_240, %parallel_loop3A_242 : vector<16xi32>
      %parallel_loop3A_244 = arith.constant 32767 : i32
      %parallel_loop3A_245 = vector.broadcast %parallel_loop3A_244 : i32 to vector<16xi32>
      %parallel_loop3A_246 = arith.addi %parallel_loop3A_245, %parallel_loop3A_243 : vector<16xi32>
      %parallel_loop3A_247 = arith.addi %parallel_loop3A_237, %parallel_loop3A_246 : vector<16xi32>
      %parallel_loop3A_248 = arith.constant -65536 : i32
      %parallel_loop3A_249 = vector.broadcast %parallel_loop3A_248 : i32 to vector<16xi32>
      %parallel_loop3A_250 = arith.andi %parallel_loop3A_247, %parallel_loop3A_249 : vector<16xi32>
      %parallel_loop3A_251 = tpu.bitcast %parallel_loop3A_250 : vector<16xi32> -> vector<16xf32>
      %parallel_loop3A_252 = tpu.bitcast %parallel_loop3A_145#4 : vector<16xf32> -> vector<16xi32>
      %parallel_loop3A_253 = arith.constant 16 : i32
      %parallel_loop3A_254 = vector.broadcast %parallel_loop3A_253 : i32 to vector<16xi32>
      %parallel_loop3A_255 = arith.shrsi %parallel_loop3A_252, %parallel_loop3A_254 : vector<16xi32>
      %parallel_loop3A_256 = arith.constant 1 : i32
      %parallel_loop3A_257 = vector.broadcast %parallel_loop3A_256 : i32 to vector<16xi32>
      %parallel_loop3A_258 = arith.andi %parallel_loop3A_255, %parallel_loop3A_257 : vector<16xi32>
      %parallel_loop3A_259 = arith.constant 32767 : i32
      %parallel_loop3A_260 = vector.broadcast %parallel_loop3A_259 : i32 to vector<16xi32>
      %parallel_loop3A_261 = arith.addi %parallel_loop3A_260, %parallel_loop3A_258 : vector<16xi32>
      %parallel_loop3A_262 = arith.addi %parallel_loop3A_252, %parallel_loop3A_261 : vector<16xi32>
      %parallel_loop3A_263 = arith.constant -65536 : i32
      %parallel_loop3A_264 = vector.broadcast %parallel_loop3A_263 : i32 to vector<16xi32>
      %parallel_loop3A_265 = arith.andi %parallel_loop3A_262, %parallel_loop3A_264 : vector<16xi32>
      %parallel_loop3A_266 = tpu.bitcast %parallel_loop3A_265 : vector<16xi32> -> vector<16xf32>
      %parallel_loop3A_267 = tpu.bitcast %parallel_loop3A_145#5 : vector<16xf32> -> vector<16xi32>
      %parallel_loop3A_268 = arith.constant 16 : i32
      %parallel_loop3A_269 = vector.broadcast %parallel_loop3A_268 : i32 to vector<16xi32>
      %parallel_loop3A_270 = arith.shrsi %parallel_loop3A_267, %parallel_loop3A_269 : vector<16xi32>
      %parallel_loop3A_271 = arith.constant 1 : i32
      %parallel_loop3A_272 = vector.broadcast %parallel_loop3A_271 : i32 to vector<16xi32>
      %parallel_loop3A_273 = arith.andi %parallel_loop3A_270, %parallel_loop3A_272 : vector<16xi32>
      %parallel_loop3A_274 = arith.constant 32767 : i32
      %parallel_loop3A_275 = vector.broadcast %parallel_loop3A_274 : i32 to vector<16xi32>
      %parallel_loop3A_276 = arith.addi %parallel_loop3A_275, %parallel_loop3A_273 : vector<16xi32>
      %parallel_loop3A_277 = arith.addi %parallel_loop3A_267, %parallel_loop3A_276 : vector<16xi32>
      %parallel_loop3A_278 = arith.constant -65536 : i32
      %parallel_loop3A_279 = vector.broadcast %parallel_loop3A_278 : i32 to vector<16xi32>
      %parallel_loop3A_280 = arith.andi %parallel_loop3A_277, %parallel_loop3A_279 : vector<16xi32>
      %parallel_loop3A_281 = tpu.bitcast %parallel_loop3A_280 : vector<16xi32> -> vector<16xf32>
      %parallel_loop3A_282 = tpu.bitcast %parallel_loop3A_145#6 : vector<16xf32> -> vector<16xi32>
      %parallel_loop3A_283 = arith.constant 16 : i32
      %parallel_loop3A_284 = vector.broadcast %parallel_loop3A_283 : i32 to vector<16xi32>
      %parallel_loop3A_285 = arith.shrsi %parallel_loop3A_282, %parallel_loop3A_284 : vector<16xi32>
      %parallel_loop3A_286 = arith.constant 1 : i32
      %parallel_loop3A_287 = vector.broadcast %parallel_loop3A_286 : i32 to vector<16xi32>
      %parallel_loop3A_288 = arith.andi %parallel_loop3A_285, %parallel_loop3A_287 : vector<16xi32>
      %parallel_loop3A_289 = arith.constant 32767 : i32
      %parallel_loop3A_290 = vector.broadcast %parallel_loop3A_289 : i32 to vector<16xi32>
      %parallel_loop3A_291 = arith.addi %parallel_loop3A_290, %parallel_loop3A_288 : vector<16xi32>
      %parallel_loop3A_292 = arith.addi %parallel_loop3A_282, %parallel_loop3A_291 : vector<16xi32>
      %parallel_loop3A_293 = arith.constant -65536 : i32
      %parallel_loop3A_294 = vector.broadcast %parallel_loop3A_293 : i32 to vector<16xi32>
      %parallel_loop3A_295 = arith.andi %parallel_loop3A_292, %parallel_loop3A_294 : vector<16xi32>
      %parallel_loop3A_296 = tpu.bitcast %parallel_loop3A_295 : vector<16xi32> -> vector<16xf32>
      %parallel_loop3A_297 = tpu.bitcast %parallel_loop3A_145#7 : vector<16xf32> -> vector<16xi32>
      %parallel_loop3A_298 = arith.constant 16 : i32
      %parallel_loop3A_299 = vector.broadcast %parallel_loop3A_298 : i32 to vector<16xi32>
      %parallel_loop3A_300 = arith.shrsi %parallel_loop3A_297, %parallel_loop3A_299 : vector<16xi32>
      %parallel_loop3A_301 = arith.constant 1 : i32
      %parallel_loop3A_302 = vector.broadcast %parallel_loop3A_301 : i32 to vector<16xi32>
      %parallel_loop3A_303 = arith.andi %parallel_loop3A_300, %parallel_loop3A_302 : vector<16xi32>
      %parallel_loop3A_304 = arith.constant 32767 : i32
      %parallel_loop3A_305 = vector.broadcast %parallel_loop3A_304 : i32 to vector<16xi32>
      %parallel_loop3A_306 = arith.addi %parallel_loop3A_305, %parallel_loop3A_303 : vector<16xi32>
      %parallel_loop3A_307 = arith.addi %parallel_loop3A_297, %parallel_loop3A_306 : vector<16xi32>
      %parallel_loop3A_308 = arith.constant -65536 : i32
      %parallel_loop3A_309 = vector.broadcast %parallel_loop3A_308 : i32 to vector<16xi32>
      %parallel_loop3A_310 = arith.andi %parallel_loop3A_307, %parallel_loop3A_309 : vector<16xi32>
      %parallel_loop3A_311 = tpu.bitcast %parallel_loop3A_310 : vector<16xi32> -> vector<16xf32>
      %parallel_loop3A_312 = tpu.bitcast %parallel_loop3A_145#8 : vector<16xf32> -> vector<16xi32>
      %parallel_loop3A_313 = arith.constant 16 : i32
      %parallel_loop3A_314 = vector.broadcast %parallel_loop3A_313 : i32 to vector<16xi32>
      %parallel_loop3A_315 = arith.shrsi %parallel_loop3A_312, %parallel_loop3A_314 : vector<16xi32>
      %parallel_loop3A_316 = arith.constant 1 : i32
      %parallel_loop3A_317 = vector.broadcast %parallel_loop3A_316 : i32 to vector<16xi32>
      %parallel_loop3A_318 = arith.andi %parallel_loop3A_315, %parallel_loop3A_317 : vector<16xi32>
      %parallel_loop3A_319 = arith.constant 32767 : i32
      %parallel_loop3A_320 = vector.broadcast %parallel_loop3A_319 : i32 to vector<16xi32>
      %parallel_loop3A_321 = arith.addi %parallel_loop3A_320, %parallel_loop3A_318 : vector<16xi32>
      %parallel_loop3A_322 = arith.addi %parallel_loop3A_312, %parallel_loop3A_321 : vector<16xi32>
      %parallel_loop3A_323 = arith.constant -65536 : i32
      %parallel_loop3A_324 = vector.broadcast %parallel_loop3A_323 : i32 to vector<16xi32>
      %parallel_loop3A_325 = arith.andi %parallel_loop3A_322, %parallel_loop3A_324 : vector<16xi32>
      %parallel_loop3A_326 = tpu.bitcast %parallel_loop3A_325 : vector<16xi32> -> vector<16xf32>
      %parallel_loop3A_327 = tpu.bitcast %parallel_loop3A_145#9 : vector<16xf32> -> vector<16xi32>
      %parallel_loop3A_328 = arith.constant 16 : i32
      %parallel_loop3A_329 = vector.broadcast %parallel_loop3A_328 : i32 to vector<16xi32>
      %parallel_loop3A_330 = arith.shrsi %parallel_loop3A_327, %parallel_loop3A_329 : vector<16xi32>
      %parallel_loop3A_331 = arith.constant 1 : i32
      %parallel_loop3A_332 = vector.broadcast %parallel_loop3A_331 : i32 to vector<16xi32>
      %parallel_loop3A_333 = arith.andi %parallel_loop3A_330, %parallel_loop3A_332 : vector<16xi32>
      %parallel_loop3A_334 = arith.constant 32767 : i32
      %parallel_loop3A_335 = vector.broadcast %parallel_loop3A_334 : i32 to vector<16xi32>
      %parallel_loop3A_336 = arith.addi %parallel_loop3A_335, %parallel_loop3A_333 : vector<16xi32>
      %parallel_loop3A_337 = arith.addi %parallel_loop3A_327, %parallel_loop3A_336 : vector<16xi32>
      %parallel_loop3A_338 = arith.constant -65536 : i32
      %parallel_loop3A_339 = vector.broadcast %parallel_loop3A_338 : i32 to vector<16xi32>
      %parallel_loop3A_340 = arith.andi %parallel_loop3A_337, %parallel_loop3A_339 : vector<16xi32>
      %parallel_loop3A_341 = tpu.bitcast %parallel_loop3A_340 : vector<16xi32> -> vector<16xf32>
      %parallel_loop3A_342 = tpu.bitcast %parallel_loop3A_145#10 : vector<16xf32> -> vector<16xi32>
      %parallel_loop3A_343 = arith.constant 16 : i32
      %parallel_loop3A_344 = vector.broadcast %parallel_loop3A_343 : i32 to vector<16xi32>
      %parallel_loop3A_345 = arith.shrsi %parallel_loop3A_342, %parallel_loop3A_344 : vector<16xi32>
      %parallel_loop3A_346 = arith.constant 1 : i32
      %parallel_loop3A_347 = vector.broadcast %parallel_loop3A_346 : i32 to vector<16xi32>
      %parallel_loop3A_348 = arith.andi %parallel_loop3A_345, %parallel_loop3A_347 : vector<16xi32>
      %parallel_loop3A_349 = arith.constant 32767 : i32
      %parallel_loop3A_350 = vector.broadcast %parallel_loop3A_349 : i32 to vector<16xi32>
      %parallel_loop3A_351 = arith.addi %parallel_loop3A_350, %parallel_loop3A_348 : vector<16xi32>
      %parallel_loop3A_352 = arith.addi %parallel_loop3A_342, %parallel_loop3A_351 : vector<16xi32>
      %parallel_loop3A_353 = arith.constant -65536 : i32
      %parallel_loop3A_354 = vector.broadcast %parallel_loop3A_353 : i32 to vector<16xi32>
      %parallel_loop3A_355 = arith.andi %parallel_loop3A_352, %parallel_loop3A_354 : vector<16xi32>
      %parallel_loop3A_356 = tpu.bitcast %parallel_loop3A_355 : vector<16xi32> -> vector<16xf32>
      %parallel_loop3A_357 = tpu.bitcast %parallel_loop3A_145#11 : vector<16xf32> -> vector<16xi32>
      %parallel_loop3A_358 = arith.constant 16 : i32
      %parallel_loop3A_359 = vector.broadcast %parallel_loop3A_358 : i32 to vector<16xi32>
      %parallel_loop3A_360 = arith.shrsi %parallel_loop3A_357, %parallel_loop3A_359 : vector<16xi32>
      %parallel_loop3A_361 = arith.constant 1 : i32
      %parallel_loop3A_362 = vector.broadcast %parallel_loop3A_361 : i32 to vector<16xi32>
      %parallel_loop3A_363 = arith.andi %parallel_loop3A_360, %parallel_loop3A_362 : vector<16xi32>
      %parallel_loop3A_364 = arith.constant 32767 : i32
      %parallel_loop3A_365 = vector.broadcast %parallel_loop3A_364 : i32 to vector<16xi32>
      %parallel_loop3A_366 = arith.addi %parallel_loop3A_365, %parallel_loop3A_363 : vector<16xi32>
      %parallel_loop3A_367 = arith.addi %parallel_loop3A_357, %parallel_loop3A_366 : vector<16xi32>
      %parallel_loop3A_368 = arith.constant -65536 : i32
      %parallel_loop3A_369 = vector.broadcast %parallel_loop3A_368 : i32 to vector<16xi32>
      %parallel_loop3A_370 = arith.andi %parallel_loop3A_367, %parallel_loop3A_369 : vector<16xi32>
      %parallel_loop3A_371 = tpu.bitcast %parallel_loop3A_370 : vector<16xi32> -> vector<16xf32>
      %parallel_loop3A_372 = tpu.bitcast %parallel_loop3A_145#12 : vector<16xf32> -> vector<16xi32>
      %parallel_loop3A_373 = arith.constant 16 : i32
      %parallel_loop3A_374 = vector.broadcast %parallel_loop3A_373 : i32 to vector<16xi32>
      %parallel_loop3A_375 = arith.shrsi %parallel_loop3A_372, %parallel_loop3A_374 : vector<16xi32>
      %parallel_loop3A_376 = arith.constant 1 : i32
      %parallel_loop3A_377 = vector.broadcast %parallel_loop3A_376 : i32 to vector<16xi32>
      %parallel_loop3A_378 = arith.andi %parallel_loop3A_375, %parallel_loop3A_377 : vector<16xi32>
      %parallel_loop3A_379 = arith.constant 32767 : i32
      %parallel_loop3A_380 = vector.broadcast %parallel_loop3A_379 : i32 to vector<16xi32>
      %parallel_loop3A_381 = arith.addi %parallel_loop3A_380, %parallel_loop3A_378 : vector<16xi32>
      %parallel_loop3A_382 = arith.addi %parallel_loop3A_372, %parallel_loop3A_381 : vector<16xi32>
      %parallel_loop3A_383 = arith.constant -65536 : i32
      %parallel_loop3A_384 = vector.broadcast %parallel_loop3A_383 : i32 to vector<16xi32>
      %parallel_loop3A_385 = arith.andi %parallel_loop3A_382, %parallel_loop3A_384 : vector<16xi32>
      %parallel_loop3A_386 = tpu.bitcast %parallel_loop3A_385 : vector<16xi32> -> vector<16xf32>
      %parallel_loop3A_387 = tpu.bitcast %parallel_loop3A_145#13 : vector<16xf32> -> vector<16xi32>
      %parallel_loop3A_388 = arith.constant 16 : i32
      %parallel_loop3A_389 = vector.broadcast %parallel_loop3A_388 : i32 to vector<16xi32>
      %parallel_loop3A_390 = arith.shrsi %parallel_loop3A_387, %parallel_loop3A_389 : vector<16xi32>
      %parallel_loop3A_391 = arith.constant 1 : i32
      %parallel_loop3A_392 = vector.broadcast %parallel_loop3A_391 : i32 to vector<16xi32>
      %parallel_loop3A_393 = arith.andi %parallel_loop3A_390, %parallel_loop3A_392 : vector<16xi32>
      %parallel_loop3A_394 = arith.constant 32767 : i32
      %parallel_loop3A_395 = vector.broadcast %parallel_loop3A_394 : i32 to vector<16xi32>
      %parallel_loop3A_396 = arith.addi %parallel_loop3A_395, %parallel_loop3A_393 : vector<16xi32>
      %parallel_loop3A_397 = arith.addi %parallel_loop3A_387, %parallel_loop3A_396 : vector<16xi32>
      %parallel_loop3A_398 = arith.constant -65536 : i32
      %parallel_loop3A_399 = vector.broadcast %parallel_loop3A_398 : i32 to vector<16xi32>
      %parallel_loop3A_400 = arith.andi %parallel_loop3A_397, %parallel_loop3A_399 : vector<16xi32>
      %parallel_loop3A_401 = tpu.bitcast %parallel_loop3A_400 : vector<16xi32> -> vector<16xf32>
      %parallel_loop3A_402 = tpu.bitcast %parallel_loop3A_145#14 : vector<16xf32> -> vector<16xi32>
      %parallel_loop3A_403 = arith.constant 16 : i32
      %parallel_loop3A_404 = vector.broadcast %parallel_loop3A_403 : i32 to vector<16xi32>
      %parallel_loop3A_405 = arith.shrsi %parallel_loop3A_402, %parallel_loop3A_404 : vector<16xi32>
      %parallel_loop3A_406 = arith.constant 1 : i32
      %parallel_loop3A_407 = vector.broadcast %parallel_loop3A_406 : i32 to vector<16xi32>
      %parallel_loop3A_408 = arith.andi %parallel_loop3A_405, %parallel_loop3A_407 : vector<16xi32>
      %parallel_loop3A_409 = arith.constant 32767 : i32
      %parallel_loop3A_410 = vector.broadcast %parallel_loop3A_409 : i32 to vector<16xi32>
      %parallel_loop3A_411 = arith.addi %parallel_loop3A_410, %parallel_loop3A_408 : vector<16xi32>
      %parallel_loop3A_412 = arith.addi %parallel_loop3A_402, %parallel_loop3A_411 : vector<16xi32>
      %parallel_loop3A_413 = arith.constant -65536 : i32
      %parallel_loop3A_414 = vector.broadcast %parallel_loop3A_413 : i32 to vector<16xi32>
      %parallel_loop3A_415 = arith.andi %parallel_loop3A_412, %parallel_loop3A_414 : vector<16xi32>
      %parallel_loop3A_416 = tpu.bitcast %parallel_loop3A_415 : vector<16xi32> -> vector<16xf32>
      %parallel_loop3A_417 = tpu.bitcast %parallel_loop3A_145#15 : vector<16xf32> -> vector<16xi32>
      %parallel_loop3A_418 = arith.constant 16 : i32
      %parallel_loop3A_419 = vector.broadcast %parallel_loop3A_418 : i32 to vector<16xi32>
      %parallel_loop3A_420 = arith.shrsi %parallel_loop3A_417, %parallel_loop3A_419 : vector<16xi32>
      %parallel_loop3A_421 = arith.constant 1 : i32
      %parallel_loop3A_422 = vector.broadcast %parallel_loop3A_421 : i32 to vector<16xi32>
      %parallel_loop3A_423 = arith.andi %parallel_loop3A_420, %parallel_loop3A_422 : vector<16xi32>
      %parallel_loop3A_424 = arith.constant 32767 : i32
      %parallel_loop3A_425 = vector.broadcast %parallel_loop3A_424 : i32 to vector<16xi32>
      %parallel_loop3A_426 = arith.addi %parallel_loop3A_425, %parallel_loop3A_423 : vector<16xi32>
      %parallel_loop3A_427 = arith.addi %parallel_loop3A_417, %parallel_loop3A_426 : vector<16xi32>
      %parallel_loop3A_428 = arith.constant -65536 : i32
      %parallel_loop3A_429 = vector.broadcast %parallel_loop3A_428 : i32 to vector<16xi32>
      %parallel_loop3A_430 = arith.andi %parallel_loop3A_427, %parallel_loop3A_429 : vector<16xi32>
      %parallel_loop3A_431 = tpu.bitcast %parallel_loop3A_430 : vector<16xi32> -> vector<16xf32>
      %parallel_loop3A_432 = arith.mulf %parallel_loop3A_206, %parallel_loop3A_151 : vector<16xf32>
      %parallel_loop3A_433 = arith.mulf %parallel_loop3A_221, %parallel_loop3A_156 : vector<16xf32>
      %parallel_loop3A_434 = arith.addf %parallel_loop3A_432, %parallel_loop3A_433 : vector<16xf32>
      %parallel_loop3A_435 = arith.mulf %parallel_loop3A_236, %parallel_loop3A_161 : vector<16xf32>
      %parallel_loop3A_436 = arith.addf %parallel_loop3A_434, %parallel_loop3A_435 : vector<16xf32>
      %parallel_loop3A_437 = arith.mulf %parallel_loop3A_251, %parallel_loop3A_166 : vector<16xf32>
      %parallel_loop3A_438 = arith.addf %parallel_loop3A_436, %parallel_loop3A_437 : vector<16xf32>
      %parallel_loop3A_439 = arith.mulf %parallel_loop3A_266, %parallel_loop3A_171 : vector<16xf32>
      %parallel_loop3A_440 = arith.addf %parallel_loop3A_438, %parallel_loop3A_439 : vector<16xf32>
      %parallel_loop3A_441 = arith.mulf %parallel_loop3A_281, %parallel_loop3A_176 : vector<16xf32>
      %parallel_loop3A_442 = arith.addf %parallel_loop3A_440, %parallel_loop3A_441 : vector<16xf32>
      %parallel_loop3A_443 = arith.mulf %parallel_loop3A_296, %parallel_loop3A_181 : vector<16xf32>
      %parallel_loop3A_444 = arith.addf %parallel_loop3A_442, %parallel_loop3A_443 : vector<16xf32>
      %parallel_loop3A_445 = arith.mulf %parallel_loop3A_311, %parallel_loop3A_186 : vector<16xf32>
      %parallel_loop3A_446 = arith.addf %parallel_loop3A_444, %parallel_loop3A_445 : vector<16xf32>
      %parallel_loop3A_447 = arith.addf %parallel_loop3A_446, %parallel_loop3A_191 : vector<16xf32>
      %parallel_loop3A_448 = arith.constant 0.000000e+00 : f32
      %parallel_loop3A_449 = vector.broadcast %parallel_loop3A_448 : f32 to vector<16xf32>
      %parallel_loop3A_450 = arith.cmpf oge, %parallel_loop3A_447, %parallel_loop3A_449 : vector<16xf32>
      %parallel_loop3A_451 = arith.mulf %parallel_loop3A_326, %parallel_loop3A_151 : vector<16xf32>
      %parallel_loop3A_452 = arith.mulf %parallel_loop3A_341, %parallel_loop3A_156 : vector<16xf32>
      %parallel_loop3A_453 = arith.addf %parallel_loop3A_451, %parallel_loop3A_452 : vector<16xf32>
      %parallel_loop3A_454 = arith.mulf %parallel_loop3A_356, %parallel_loop3A_161 : vector<16xf32>
      %parallel_loop3A_455 = arith.addf %parallel_loop3A_453, %parallel_loop3A_454 : vector<16xf32>
      %parallel_loop3A_456 = arith.mulf %parallel_loop3A_371, %parallel_loop3A_166 : vector<16xf32>
      %parallel_loop3A_457 = arith.addf %parallel_loop3A_455, %parallel_loop3A_456 : vector<16xf32>
      %parallel_loop3A_458 = arith.mulf %parallel_loop3A_386, %parallel_loop3A_171 : vector<16xf32>
      %parallel_loop3A_459 = arith.addf %parallel_loop3A_457, %parallel_loop3A_458 : vector<16xf32>
      %parallel_loop3A_460 = arith.mulf %parallel_loop3A_401, %parallel_loop3A_176 : vector<16xf32>
      %parallel_loop3A_461 = arith.addf %parallel_loop3A_459, %parallel_loop3A_460 : vector<16xf32>
      %parallel_loop3A_462 = arith.mulf %parallel_loop3A_416, %parallel_loop3A_181 : vector<16xf32>
      %parallel_loop3A_463 = arith.addf %parallel_loop3A_461, %parallel_loop3A_462 : vector<16xf32>
      %parallel_loop3A_464 = arith.mulf %parallel_loop3A_431, %parallel_loop3A_186 : vector<16xf32>
      %parallel_loop3A_465 = arith.addf %parallel_loop3A_463, %parallel_loop3A_464 : vector<16xf32>
      %parallel_loop3A_466 = arith.addf %parallel_loop3A_465, %parallel_loop3A_191 : vector<16xf32>
      %parallel_loop3A_467 = arith.constant 0.000000e+00 : f32
      %parallel_loop3A_468 = vector.broadcast %parallel_loop3A_467 : f32 to vector<16xf32>
      %parallel_loop3A_469 = arith.cmpf oge, %parallel_loop3A_466, %parallel_loop3A_468 : vector<16xf32>
      %parallel_loop3A_470 = arith.constant 609 : i32
      %parallel_loop3A_471 = arith.index_cast %parallel_loop3A_470 : i32 to index
      %parallel_loop3A_472 = arith.constant 0 : index
      %parallel_loop3A_473 = tpu.vector_load %arg13[%parallel_loop3A_471, %parallel_loop3A_472] {strides = array<i32>} : memref<624x16xf32, #tpu.memory_space<vmem>>, vector<1x16xf32>,
      %parallel_loop3A_474 = vector.shape_cast %parallel_loop3A_473 : vector<1x16xf32> to vector<16xf32>
      %parallel_loop3A_475 = arith.constant 610 : i32
      %parallel_loop3A_476 = arith.index_cast %parallel_loop3A_475 : i32 to index
      %parallel_loop3A_477 = arith.constant 0 : index
      %parallel_loop3A_478 = tpu.vector_load %arg13[%parallel_loop3A_476, %parallel_loop3A_477] {strides = array<i32>} : memref<624x16xf32, #tpu.memory_space<vmem>>, vector<1x16xf32>,
      %parallel_loop3A_479 = vector.shape_cast %parallel_loop3A_478 : vector<1x16xf32> to vector<16xf32>
      %parallel_loop3A_480 = arith.select %parallel_loop3A_450, %parallel_loop3A_474, %parallel_loop3A_479 : vector<16xi1>, vector<16xf32>
      %parallel_loop3A_481 = arith.select %parallel_loop3A_469, %parallel_loop3A_474, %parallel_loop3A_479 : vector<16xi1>, vector<16xf32>
      %parallel_loop3A_482 = arith.constant 0 : i32
      %parallel_loop3A_483 = arith.constant 16 : i32
      %parallel_loop3A_484 = arith.addi %parallel_loop3A_482, %parallel_loop3A_483 : i32
      %parallel_loop3A_485 = arith.constant 1 : i32
      %parallel_loop3A_486:2 = scf.for %scan3A = %parallel_loop3A_482 to %parallel_loop3A_484 step %parallel_loop3A_485 iter_args(%scan3A_490 = %parallel_loop3A_480, %scan3A_491 = %parallel_loop3A_481) -> (vector<16xf32>, vector<16xf32>)  : i32 {
        %parallel_loop3A_492 = arith.constant 8 : i32
        %parallel_loop3A_493 = arith.muli %scan3A, %parallel_loop3A_492 : i32
        %parallel_loop3A_494 = arith.constant 289 : i32
        %parallel_loop3A_495 = arith.addi %parallel_loop3A_494, %parallel_loop3A_493 : i32
        %parallel_loop3A_496 = arith.constant 0 : i32
        %parallel_loop3A_497 = arith.addi %parallel_loop3A_495, %parallel_loop3A_496 : i32
        %parallel_loop3A_498 = arith.index_cast %parallel_loop3A_497 : i32 to index
        %parallel_loop3A_499 = arith.constant 0 : index
        %parallel_loop3A_500 = tpu.vector_load %arg13[%parallel_loop3A_498, %parallel_loop3A_499] {strides = array<i32>} : memref<624x16xf32, #tpu.memory_space<vmem>>, vector<1x16xf32>,
        %parallel_loop3A_501 = vector.shape_cast %parallel_loop3A_500 : vector<1x16xf32> to vector<16xf32>
        %parallel_loop3A_502 = arith.constant 289 : i32
        %parallel_loop3A_503 = arith.addi %parallel_loop3A_502, %parallel_loop3A_493 : i32
        %parallel_loop3A_504 = arith.constant 1 : i32
        %parallel_loop3A_505 = arith.addi %parallel_loop3A_503, %parallel_loop3A_504 : i32
        %parallel_loop3A_506 = arith.index_cast %parallel_loop3A_505 : i32 to index
        %parallel_loop3A_507 = arith.constant 0 : index
        %parallel_loop3A_508 = tpu.vector_load %arg13[%parallel_loop3A_506, %parallel_loop3A_507] {strides = array<i32>} : memref<624x16xf32, #tpu.memory_space<vmem>>, vector<1x16xf32>,
        %parallel_loop3A_509 = vector.shape_cast %parallel_loop3A_508 : vector<1x16xf32> to vector<16xf32>
        %parallel_loop3A_510 = arith.constant 289 : i32
        %parallel_loop3A_511 = arith.addi %parallel_loop3A_510, %parallel_loop3A_493 : i32
        %parallel_loop3A_512 = arith.constant 2 : i32
        %parallel_loop3A_513 = arith.addi %parallel_loop3A_511, %parallel_loop3A_512 : i32
        %parallel_loop3A_514 = arith.index_cast %parallel_loop3A_513 : i32 to index
        %parallel_loop3A_515 = arith.constant 0 : index
        %parallel_loop3A_516 = tpu.vector_load %arg13[%parallel_loop3A_514, %parallel_loop3A_515] {strides = array<i32>} : memref<624x16xf32, #tpu.memory_space<vmem>>, vector<1x16xf32>,
        %parallel_loop3A_517 = vector.shape_cast %parallel_loop3A_516 : vector<1x16xf32> to vector<16xf32>
        %parallel_loop3A_518 = arith.constant 289 : i32
        %parallel_loop3A_519 = arith.addi %parallel_loop3A_518, %parallel_loop3A_493 : i32
        %parallel_loop3A_520 = arith.constant 3 : i32
        %parallel_loop3A_521 = arith.addi %parallel_loop3A_519, %parallel_loop3A_520 : i32
        %parallel_loop3A_522 = arith.index_cast %parallel_loop3A_521 : i32 to index
        %parallel_loop3A_523 = arith.constant 0 : index
        %parallel_loop3A_524 = tpu.vector_load %arg13[%parallel_loop3A_522, %parallel_loop3A_523] {strides = array<i32>} : memref<624x16xf32, #tpu.memory_space<vmem>>, vector<1x16xf32>,
        %parallel_loop3A_525 = vector.shape_cast %parallel_loop3A_524 : vector<1x16xf32> to vector<16xf32>
        %parallel_loop3A_526 = arith.constant 289 : i32
        %parallel_loop3A_527 = arith.addi %parallel_loop3A_526, %parallel_loop3A_493 : i32
        %parallel_loop3A_528 = arith.constant 4 : i32
        %parallel_loop3A_529 = arith.addi %parallel_loop3A_527, %parallel_loop3A_528 : i32
        %parallel_loop3A_530 = arith.index_cast %parallel_loop3A_529 : i32 to index
        %parallel_loop3A_531 = arith.constant 0 : index
        %parallel_loop3A_532 = tpu.vector_load %arg13[%parallel_loop3A_530, %parallel_loop3A_531] {strides = array<i32>} : memref<624x16xf32, #tpu.memory_space<vmem>>, vector<1x16xf32>,
        %parallel_loop3A_533 = vector.shape_cast %parallel_loop3A_532 : vector<1x16xf32> to vector<16xf32>
        %parallel_loop3A_534 = arith.constant 289 : i32
        %parallel_loop3A_535 = arith.addi %parallel_loop3A_534, %parallel_loop3A_493 : i32
        %parallel_loop3A_536 = arith.constant 5 : i32
        %parallel_loop3A_537 = arith.addi %parallel_loop3A_535, %parallel_loop3A_536 : i32
        %parallel_loop3A_538 = arith.index_cast %parallel_loop3A_537 : i32 to index
        %parallel_loop3A_539 = arith.constant 0 : index
        %parallel_loop3A_540 = tpu.vector_load %arg13[%parallel_loop3A_538, %parallel_loop3A_539] {strides = array<i32>} : memref<624x16xf32, #tpu.memory_space<vmem>>, vector<1x16xf32>,
        %parallel_loop3A_541 = vector.shape_cast %parallel_loop3A_540 : vector<1x16xf32> to vector<16xf32>
        %parallel_loop3A_542 = arith.constant 289 : i32
        %parallel_loop3A_543 = arith.addi %parallel_loop3A_542, %parallel_loop3A_493 : i32
        %parallel_loop3A_544 = arith.constant 6 : i32
        %parallel_loop3A_545 = arith.addi %parallel_loop3A_543, %parallel_loop3A_544 : i32
        %parallel_loop3A_546 = arith.index_cast %parallel_loop3A_545 : i32 to index
        %parallel_loop3A_547 = arith.constant 0 : index
        %parallel_loop3A_548 = tpu.vector_load %arg13[%parallel_loop3A_546, %parallel_loop3A_547] {strides = array<i32>} : memref<624x16xf32, #tpu.memory_space<vmem>>, vector<1x16xf32>,
        %parallel_loop3A_549 = vector.shape_cast %parallel_loop3A_548 : vector<1x16xf32> to vector<16xf32>
        %parallel_loop3A_550 = arith.constant 289 : i32
        %parallel_loop3A_551 = arith.addi %parallel_loop3A_550, %parallel_loop3A_493 : i32
        %parallel_loop3A_552 = arith.constant 7 : i32
        %parallel_loop3A_553 = arith.addi %parallel_loop3A_551, %parallel_loop3A_552 : i32
        %parallel_loop3A_554 = arith.index_cast %parallel_loop3A_553 : i32 to index
        %parallel_loop3A_555 = arith.constant 0 : index
        %parallel_loop3A_556 = tpu.vector_load %arg13[%parallel_loop3A_554, %parallel_loop3A_555] {strides = array<i32>} : memref<624x16xf32, #tpu.memory_space<vmem>>, vector<1x16xf32>,
        %parallel_loop3A_557 = vector.shape_cast %parallel_loop3A_556 : vector<1x16xf32> to vector<16xf32>
        %parallel_loop3A_558 = arith.constant 417 : i32
        %parallel_loop3A_559 = arith.addi %parallel_loop3A_558, %parallel_loop3A_493 : i32
        %parallel_loop3A_560 = arith.constant 0 : i32
        %parallel_loop3A_561 = arith.addi %parallel_loop3A_559, %parallel_loop3A_560 : i32
        %parallel_loop3A_562 = arith.index_cast %parallel_loop3A_561 : i32 to index
        %parallel_loop3A_563 = arith.constant 0 : index
        %parallel_loop3A_564 = tpu.vector_load %arg13[%parallel_loop3A_562, %parallel_loop3A_563] {strides = array<i32>} : memref<624x16xf32, #tpu.memory_space<vmem>>, vector<1x16xf32>,
        %parallel_loop3A_565 = vector.shape_cast %parallel_loop3A_564 : vector<1x16xf32> to vector<16xf32>
        %parallel_loop3A_566 = arith.constant 417 : i32
        %parallel_loop3A_567 = arith.addi %parallel_loop3A_566, %parallel_loop3A_493 : i32
        %parallel_loop3A_568 = arith.constant 1 : i32
        %parallel_loop3A_569 = arith.addi %parallel_loop3A_567, %parallel_loop3A_568 : i32
        %parallel_loop3A_570 = arith.index_cast %parallel_loop3A_569 : i32 to index
        %parallel_loop3A_571 = arith.constant 0 : index
        %parallel_loop3A_572 = tpu.vector_load %arg13[%parallel_loop3A_570, %parallel_loop3A_571] {strides = array<i32>} : memref<624x16xf32, #tpu.memory_space<vmem>>, vector<1x16xf32>,
        %parallel_loop3A_573 = vector.shape_cast %parallel_loop3A_572 : vector<1x16xf32> to vector<16xf32>
        %parallel_loop3A_574 = arith.constant 417 : i32
        %parallel_loop3A_575 = arith.addi %parallel_loop3A_574, %parallel_loop3A_493 : i32
        %parallel_loop3A_576 = arith.constant 2 : i32
        %parallel_loop3A_577 = arith.addi %parallel_loop3A_575, %parallel_loop3A_576 : i32
        %parallel_loop3A_578 = arith.index_cast %parallel_loop3A_577 : i32 to index
        %parallel_loop3A_579 = arith.constant 0 : index
        %parallel_loop3A_580 = tpu.vector_load %arg13[%parallel_loop3A_578, %parallel_loop3A_579] {strides = array<i32>} : memref<624x16xf32, #tpu.memory_space<vmem>>, vector<1x16xf32>,
        %parallel_loop3A_581 = vector.shape_cast %parallel_loop3A_580 : vector<1x16xf32> to vector<16xf32>
        %parallel_loop3A_582 = arith.constant 417 : i32
        %parallel_loop3A_583 = arith.addi %parallel_loop3A_582, %parallel_loop3A_493 : i32
        %parallel_loop3A_584 = arith.constant 3 : i32
        %parallel_loop3A_585 = arith.addi %parallel_loop3A_583, %parallel_loop3A_584 : i32
        %parallel_loop3A_586 = arith.index_cast %parallel_loop3A_585 : i32 to index
        %parallel_loop3A_587 = arith.constant 0 : index
        %parallel_loop3A_588 = tpu.vector_load %arg13[%parallel_loop3A_586, %parallel_loop3A_587] {strides = array<i32>} : memref<624x16xf32, #tpu.memory_space<vmem>>, vector<1x16xf32>,
        %parallel_loop3A_589 = vector.shape_cast %parallel_loop3A_588 : vector<1x16xf32> to vector<16xf32>
        %parallel_loop3A_590 = arith.constant 417 : i32
        %parallel_loop3A_591 = arith.addi %parallel_loop3A_590, %parallel_loop3A_493 : i32
        %parallel_loop3A_592 = arith.constant 4 : i32
        %parallel_loop3A_593 = arith.addi %parallel_loop3A_591, %parallel_loop3A_592 : i32
        %parallel_loop3A_594 = arith.index_cast %parallel_loop3A_593 : i32 to index
        %parallel_loop3A_595 = arith.constant 0 : index
        %parallel_loop3A_596 = tpu.vector_load %arg13[%parallel_loop3A_594, %parallel_loop3A_595] {strides = array<i32>} : memref<624x16xf32, #tpu.memory_space<vmem>>, vector<1x16xf32>,
        %parallel_loop3A_597 = vector.shape_cast %parallel_loop3A_596 : vector<1x16xf32> to vector<16xf32>
        %parallel_loop3A_598 = arith.constant 417 : i32
        %parallel_loop3A_599 = arith.addi %parallel_loop3A_598, %parallel_loop3A_493 : i32
        %parallel_loop3A_600 = arith.constant 5 : i32
        %parallel_loop3A_601 = arith.addi %parallel_loop3A_599, %parallel_loop3A_600 : i32
        %parallel_loop3A_602 = arith.index_cast %parallel_loop3A_601 : i32 to index
        %parallel_loop3A_603 = arith.constant 0 : index
        %parallel_loop3A_604 = tpu.vector_load %arg13[%parallel_loop3A_602, %parallel_loop3A_603] {strides = array<i32>} : memref<624x16xf32, #tpu.memory_space<vmem>>, vector<1x16xf32>,
        %parallel_loop3A_605 = vector.shape_cast %parallel_loop3A_604 : vector<1x16xf32> to vector<16xf32>
        %parallel_loop3A_606 = arith.constant 417 : i32
        %parallel_loop3A_607 = arith.addi %parallel_loop3A_606, %parallel_loop3A_493 : i32
        %parallel_loop3A_608 = arith.constant 6 : i32
        %parallel_loop3A_609 = arith.addi %parallel_loop3A_607, %parallel_loop3A_608 : i32
        %parallel_loop3A_610 = arith.index_cast %parallel_loop3A_609 : i32 to index
        %parallel_loop3A_611 = arith.constant 0 : index
        %parallel_loop3A_612 = tpu.vector_load %arg13[%parallel_loop3A_610, %parallel_loop3A_611] {strides = array<i32>} : memref<624x16xf32, #tpu.memory_space<vmem>>, vector<1x16xf32>,
        %parallel_loop3A_613 = vector.shape_cast %parallel_loop3A_612 : vector<1x16xf32> to vector<16xf32>
        %parallel_loop3A_614 = arith.constant 417 : i32
        %parallel_loop3A_615 = arith.addi %parallel_loop3A_614, %parallel_loop3A_493 : i32
        %parallel_loop3A_616 = arith.constant 7 : i32
        %parallel_loop3A_617 = arith.addi %parallel_loop3A_615, %parallel_loop3A_616 : i32
        %parallel_loop3A_618 = arith.index_cast %parallel_loop3A_617 : i32 to index
        %parallel_loop3A_619 = arith.constant 0 : index
        %parallel_loop3A_620 = tpu.vector_load %arg13[%parallel_loop3A_618, %parallel_loop3A_619] {strides = array<i32>} : memref<624x16xf32, #tpu.memory_space<vmem>>, vector<1x16xf32>,
        %parallel_loop3A_621 = vector.shape_cast %parallel_loop3A_620 : vector<1x16xf32> to vector<16xf32>
        %parallel_loop3A_622 = arith.constant 545 : i32
        %parallel_loop3A_623 = arith.addi %parallel_loop3A_622, %scan3A : i32
        %parallel_loop3A_624 = arith.index_cast %parallel_loop3A_623 : i32 to index
        %parallel_loop3A_625 = arith.constant 0 : index
        %parallel_loop3A_626 = tpu.vector_load %arg13[%parallel_loop3A_624, %parallel_loop3A_625] {strides = array<i32>} : memref<624x16xf32, #tpu.memory_space<vmem>>, vector<1x16xf32>,
        %parallel_loop3A_627 = vector.shape_cast %parallel_loop3A_626 : vector<1x16xf32> to vector<16xf32>
        %parallel_loop3A_628 = arith.constant 561 : i32
        %parallel_loop3A_629 = arith.addi %parallel_loop3A_628, %scan3A : i32
        %parallel_loop3A_630 = arith.index_cast %parallel_loop3A_629 : i32 to index
        %parallel_loop3A_631 = arith.constant 0 : index
        %parallel_loop3A_632 = tpu.vector_load %arg13[%parallel_loop3A_630, %parallel_loop3A_631] {strides = array<i32>} : memref<624x16xf32, #tpu.memory_space<vmem>>, vector<1x16xf32>,
        %parallel_loop3A_633 = vector.shape_cast %parallel_loop3A_632 : vector<1x16xf32> to vector<16xf32>
        %parallel_loop3A_634 = arith.constant 577 : i32
        %parallel_loop3A_635 = arith.addi %parallel_loop3A_634, %scan3A : i32
        %parallel_loop3A_636 = arith.index_cast %parallel_loop3A_635 : i32 to index
        %parallel_loop3A_637 = arith.constant 0 : index
        %parallel_loop3A_638 = tpu.vector_load %arg13[%parallel_loop3A_636, %parallel_loop3A_637] {strides = array<i32>} : memref<624x16xf32, #tpu.memory_space<vmem>>, vector<1x16xf32>,
        %parallel_loop3A_639 = vector.shape_cast %parallel_loop3A_638 : vector<1x16xf32> to vector<16xf32>
        %parallel_loop3A_640 = arith.constant 593 : i32
        %parallel_loop3A_641 = arith.addi %parallel_loop3A_640, %scan3A : i32
        %parallel_loop3A_642 = arith.index_cast %parallel_loop3A_641 : i32 to index
        %parallel_loop3A_643 = arith.constant 0 : index
        %parallel_loop3A_644 = tpu.vector_load %arg13[%parallel_loop3A_642, %parallel_loop3A_643] {strides = array<i32>} : memref<624x16xf32, #tpu.memory_space<vmem>>, vector<1x16xf32>,
        %parallel_loop3A_645 = vector.shape_cast %parallel_loop3A_644 : vector<1x16xf32> to vector<16xf32>
        %parallel_loop3A_646 = arith.mulf %parallel_loop3A_206, %parallel_loop3A_501 : vector<16xf32>
        %parallel_loop3A_647 = arith.mulf %parallel_loop3A_206, %parallel_loop3A_565 : vector<16xf32>
        %parallel_loop3A_648 = arith.mulf %parallel_loop3A_221, %parallel_loop3A_509 : vector<16xf32>
        %parallel_loop3A_649 = arith.addf %parallel_loop3A_646, %parallel_loop3A_648 : vector<16xf32>
        %parallel_loop3A_650 = arith.mulf %parallel_loop3A_221, %parallel_loop3A_573 : vector<16xf32>
        %parallel_loop3A_651 = arith.addf %parallel_loop3A_647, %parallel_loop3A_650 : vector<16xf32>
        %parallel_loop3A_652 = arith.mulf %parallel_loop3A_236, %parallel_loop3A_517 : vector<16xf32>
        %parallel_loop3A_653 = arith.addf %parallel_loop3A_649, %parallel_loop3A_652 : vector<16xf32>
        %parallel_loop3A_654 = arith.mulf %parallel_loop3A_236, %parallel_loop3A_581 : vector<16xf32>
        %parallel_loop3A_655 = arith.addf %parallel_loop3A_651, %parallel_loop3A_654 : vector<16xf32>
        %parallel_loop3A_656 = arith.mulf %parallel_loop3A_251, %parallel_loop3A_525 : vector<16xf32>
        %parallel_loop3A_657 = arith.addf %parallel_loop3A_653, %parallel_loop3A_656 : vector<16xf32>
        %parallel_loop3A_658 = arith.mulf %parallel_loop3A_251, %parallel_loop3A_589 : vector<16xf32>
        %parallel_loop3A_659 = arith.addf %parallel_loop3A_655, %parallel_loop3A_658 : vector<16xf32>
        %parallel_loop3A_660 = arith.mulf %parallel_loop3A_266, %parallel_loop3A_533 : vector<16xf32>
        %parallel_loop3A_661 = arith.addf %parallel_loop3A_657, %parallel_loop3A_660 : vector<16xf32>
        %parallel_loop3A_662 = arith.mulf %parallel_loop3A_266, %parallel_loop3A_597 : vector<16xf32>
        %parallel_loop3A_663 = arith.addf %parallel_loop3A_659, %parallel_loop3A_662 : vector<16xf32>
        %parallel_loop3A_664 = arith.mulf %parallel_loop3A_281, %parallel_loop3A_541 : vector<16xf32>
        %parallel_loop3A_665 = arith.addf %parallel_loop3A_661, %parallel_loop3A_664 : vector<16xf32>
        %parallel_loop3A_666 = arith.mulf %parallel_loop3A_281, %parallel_loop3A_605 : vector<16xf32>
        %parallel_loop3A_667 = arith.addf %parallel_loop3A_663, %parallel_loop3A_666 : vector<16xf32>
        %parallel_loop3A_668 = arith.mulf %parallel_loop3A_296, %parallel_loop3A_549 : vector<16xf32>
        %parallel_loop3A_669 = arith.addf %parallel_loop3A_665, %parallel_loop3A_668 : vector<16xf32>
        %parallel_loop3A_670 = arith.mulf %parallel_loop3A_296, %parallel_loop3A_613 : vector<16xf32>
        %parallel_loop3A_671 = arith.addf %parallel_loop3A_667, %parallel_loop3A_670 : vector<16xf32>
        %parallel_loop3A_672 = arith.mulf %parallel_loop3A_311, %parallel_loop3A_557 : vector<16xf32>
        %parallel_loop3A_673 = arith.addf %parallel_loop3A_669, %parallel_loop3A_672 : vector<16xf32>
        %parallel_loop3A_674 = arith.mulf %parallel_loop3A_311, %parallel_loop3A_621 : vector<16xf32>
        %parallel_loop3A_675 = arith.addf %parallel_loop3A_671, %parallel_loop3A_674 : vector<16xf32>
        %parallel_loop3A_676 = arith.addf %parallel_loop3A_673, %parallel_loop3A_627 : vector<16xf32>
        %parallel_loop3A_677 = arith.addf %parallel_loop3A_675, %parallel_loop3A_633 : vector<16xf32>
        %parallel_loop3A_678 = arith.select %parallel_loop3A_450, %parallel_loop3A_676, %parallel_loop3A_677 : vector<16xi1>, vector<16xf32>
        %parallel_loop3A_679 = math.absf %parallel_loop3A_678 : vector<16xf32>
        %parallel_loop3A_680 = arith.constant 0.707106769 : f32
        %parallel_loop3A_681 = vector.broadcast %parallel_loop3A_680 : f32 to vector<16xf32>
        %parallel_loop3A_682 = arith.mulf %parallel_loop3A_679, %parallel_loop3A_681 : vector<16xf32>
        %parallel_loop3A_683 = arith.constant 2.500000e+00 : f32
        %parallel_loop3A_684 = vector.broadcast %parallel_loop3A_683 : f32 to vector<16xf32>
        %parallel_loop3A_685 = arith.minimumf %parallel_loop3A_682, %parallel_loop3A_684 : vector<16xf32>
        %parallel_loop3A_686 = arith.mulf %parallel_loop3A_685, %parallel_loop3A_685 : vector<16xf32>
        %parallel_loop3A_687 = arith.constant -1.30228415E-8 : f32
        %parallel_loop3A_688 = vector.broadcast %parallel_loop3A_687 : f32 to vector<16xf32>
        %parallel_loop3A_689 = arith.mulf %parallel_loop3A_688, %parallel_loop3A_686 : vector<16xf32>
        %parallel_loop3A_690 = arith.constant 4.94881192E-7 : f32
        %parallel_loop3A_691 = vector.broadcast %parallel_loop3A_690 : f32 to vector<16xf32>
        %parallel_loop3A_692 = arith.addf %parallel_loop3A_689, %parallel_loop3A_691 : vector<16xf32>
        %parallel_loop3A_693 = arith.mulf %parallel_loop3A_692, %parallel_loop3A_686 : vector<16xf32>
        %parallel_loop3A_694 = arith.constant -8.76411741E-6 : f32
        %parallel_loop3A_695 = vector.broadcast %parallel_loop3A_694 : f32 to vector<16xf32>
        %parallel_loop3A_696 = arith.addf %parallel_loop3A_693, %parallel_loop3A_695 : vector<16xf32>
        %parallel_loop3A_697 = arith.mulf %parallel_loop3A_696, %parallel_loop3A_686 : vector<16xf32>
        %parallel_loop3A_698 = arith.constant 9.82766796E-5 : f32
        %parallel_loop3A_699 = vector.broadcast %parallel_loop3A_698 : f32 to vector<16xf32>
        %parallel_loop3A_700 = arith.addf %parallel_loop3A_697, %parallel_loop3A_699 : vector<16xf32>
        %parallel_loop3A_701 = arith.mulf %parallel_loop3A_700, %parallel_loop3A_686 : vector<16xf32>
        %parallel_loop3A_702 = arith.constant -8.02004652E-4 : f32
        %parallel_loop3A_703 = vector.broadcast %parallel_loop3A_702 : f32 to vector<16xf32>
        %parallel_loop3A_704 = arith.addf %parallel_loop3A_701, %parallel_loop3A_703 : vector<16xf32>
        %parallel_loop3A_705 = arith.mulf %parallel_loop3A_704, %parallel_loop3A_686 : vector<16xf32>
        %parallel_loop3A_706 = arith.constant 0.0051451982 : f32
        %parallel_loop3A_707 = vector.broadcast %parallel_loop3A_706 : f32 to vector<16xf32>
        %parallel_loop3A_708 = arith.addf %parallel_loop3A_705, %parallel_loop3A_707 : vector<16xf32>
        %parallel_loop3A_709 = arith.mulf %parallel_loop3A_708, %parallel_loop3A_686 : vector<16xf32>
        %parallel_loop3A_710 = arith.constant -0.0267974101 : f32
        %parallel_loop3A_711 = vector.broadcast %parallel_loop3A_710 : f32 to vector<16xf32>
        %parallel_loop3A_712 = arith.addf %parallel_loop3A_709, %parallel_loop3A_711 : vector<16xf32>
        %parallel_loop3A_713 = arith.mulf %parallel_loop3A_712, %parallel_loop3A_686 : vector<16xf32>
        %parallel_loop3A_714 = arith.constant 0.112807103 : f32
        %parallel_loop3A_715 = vector.broadcast %parallel_loop3A_714 : f32 to vector<16xf32>
        %parallel_loop3A_716 = arith.addf %parallel_loop3A_713, %parallel_loop3A_715 : vector<16xf32>
        %parallel_loop3A_717 = arith.mulf %parallel_loop3A_716, %parallel_loop3A_686 : vector<16xf32>
        %parallel_loop3A_718 = arith.constant -3.761210e-01 : f32
        %parallel_loop3A_719 = vector.broadcast %parallel_loop3A_718 : f32 to vector<16xf32>
        %parallel_loop3A_720 = arith.addf %parallel_loop3A_717, %parallel_loop3A_719 : vector<16xf32>
        %parallel_loop3A_721 = arith.mulf %parallel_loop3A_720, %parallel_loop3A_686 : vector<16xf32>
        %parallel_loop3A_722 = arith.constant 1.12837899 : f32
        %parallel_loop3A_723 = vector.broadcast %parallel_loop3A_722 : f32 to vector<16xf32>
        %parallel_loop3A_724 = arith.addf %parallel_loop3A_721, %parallel_loop3A_723 : vector<16xf32>
        %parallel_loop3A_725 = arith.mulf %parallel_loop3A_685, %parallel_loop3A_724 : vector<16xf32>
        %parallel_loop3A_726 = arith.mulf %parallel_loop3A_679, %parallel_loop3A_725 : vector<16xf32>
        %parallel_loop3A_727 = arith.addf %parallel_loop3A_678, %parallel_loop3A_726 : vector<16xf32>
        %parallel_loop3A_728 = arith.constant 5.000000e-01 : f32
        %parallel_loop3A_729 = vector.broadcast %parallel_loop3A_728 : f32 to vector<16xf32>
        %parallel_loop3A_730 = arith.mulf %parallel_loop3A_729, %parallel_loop3A_727 : vector<16xf32>
        %parallel_loop3A_731 = tpu.bitcast %parallel_loop3A_730 : vector<16xf32> -> vector<16xi32>
        %parallel_loop3A_732 = arith.constant 16 : i32
        %parallel_loop3A_733 = vector.broadcast %parallel_loop3A_732 : i32 to vector<16xi32>
        %parallel_loop3A_734 = arith.shrsi %parallel_loop3A_731, %parallel_loop3A_733 : vector<16xi32>
        %parallel_loop3A_735 = arith.constant 1 : i32
        %parallel_loop3A_736 = vector.broadcast %parallel_loop3A_735 : i32 to vector<16xi32>
        %parallel_loop3A_737 = arith.andi %parallel_loop3A_734, %parallel_loop3A_736 : vector<16xi32>
        %parallel_loop3A_738 = arith.constant 32767 : i32
        %parallel_loop3A_739 = vector.broadcast %parallel_loop3A_738 : i32 to vector<16xi32>
        %parallel_loop3A_740 = arith.addi %parallel_loop3A_739, %parallel_loop3A_737 : vector<16xi32>
        %parallel_loop3A_741 = arith.addi %parallel_loop3A_731, %parallel_loop3A_740 : vector<16xi32>
        %parallel_loop3A_742 = arith.constant -65536 : i32
        %parallel_loop3A_743 = vector.broadcast %parallel_loop3A_742 : i32 to vector<16xi32>
        %parallel_loop3A_744 = arith.andi %parallel_loop3A_741, %parallel_loop3A_743 : vector<16xi32>
        %parallel_loop3A_745 = tpu.bitcast %parallel_loop3A_744 : vector<16xi32> -> vector<16xf32>
        %parallel_loop3A_746 = arith.select %parallel_loop3A_450, %parallel_loop3A_639, %parallel_loop3A_645 : vector<16xi1>, vector<16xf32>
        %parallel_loop3A_747 = arith.mulf %parallel_loop3A_745, %parallel_loop3A_746 : vector<16xf32>
        %parallel_loop3A_748 = arith.addf %scan3A_490, %parallel_loop3A_747 : vector<16xf32>
        %parallel_loop3A_749 = arith.mulf %parallel_loop3A_326, %parallel_loop3A_501 : vector<16xf32>
        %parallel_loop3A_750 = arith.mulf %parallel_loop3A_326, %parallel_loop3A_565 : vector<16xf32>
        %parallel_loop3A_751 = arith.mulf %parallel_loop3A_341, %parallel_loop3A_509 : vector<16xf32>
        %parallel_loop3A_752 = arith.addf %parallel_loop3A_749, %parallel_loop3A_751 : vector<16xf32>
        %parallel_loop3A_753 = arith.mulf %parallel_loop3A_341, %parallel_loop3A_573 : vector<16xf32>
        %parallel_loop3A_754 = arith.addf %parallel_loop3A_750, %parallel_loop3A_753 : vector<16xf32>
        %parallel_loop3A_755 = arith.mulf %parallel_loop3A_356, %parallel_loop3A_517 : vector<16xf32>
        %parallel_loop3A_756 = arith.addf %parallel_loop3A_752, %parallel_loop3A_755 : vector<16xf32>
        %parallel_loop3A_757 = arith.mulf %parallel_loop3A_356, %parallel_loop3A_581 : vector<16xf32>
        %parallel_loop3A_758 = arith.addf %parallel_loop3A_754, %parallel_loop3A_757 : vector<16xf32>
        %parallel_loop3A_759 = arith.mulf %parallel_loop3A_371, %parallel_loop3A_525 : vector<16xf32>
        %parallel_loop3A_760 = arith.addf %parallel_loop3A_756, %parallel_loop3A_759 : vector<16xf32>
        %parallel_loop3A_761 = arith.mulf %parallel_loop3A_371, %parallel_loop3A_589 : vector<16xf32>
        %parallel_loop3A_762 = arith.addf %parallel_loop3A_758, %parallel_loop3A_761 : vector<16xf32>
        %parallel_loop3A_763 = arith.mulf %parallel_loop3A_386, %parallel_loop3A_533 : vector<16xf32>
        %parallel_loop3A_764 = arith.addf %parallel_loop3A_760, %parallel_loop3A_763 : vector<16xf32>
        %parallel_loop3A_765 = arith.mulf %parallel_loop3A_386, %parallel_loop3A_597 : vector<16xf32>
        %parallel_loop3A_766 = arith.addf %parallel_loop3A_762, %parallel_loop3A_765 : vector<16xf32>
        %parallel_loop3A_767 = arith.mulf %parallel_loop3A_401, %parallel_loop3A_541 : vector<16xf32>
        %parallel_loop3A_768 = arith.addf %parallel_loop3A_764, %parallel_loop3A_767 : vector<16xf32>
        %parallel_loop3A_769 = arith.mulf %parallel_loop3A_401, %parallel_loop3A_605 : vector<16xf32>
        %parallel_loop3A_770 = arith.addf %parallel_loop3A_766, %parallel_loop3A_769 : vector<16xf32>
        %parallel_loop3A_771 = arith.mulf %parallel_loop3A_416, %parallel_loop3A_549 : vector<16xf32>
        %parallel_loop3A_772 = arith.addf %parallel_loop3A_768, %parallel_loop3A_771 : vector<16xf32>
        %parallel_loop3A_773 = arith.mulf %parallel_loop3A_416, %parallel_loop3A_613 : vector<16xf32>
        %parallel_loop3A_774 = arith.addf %parallel_loop3A_770, %parallel_loop3A_773 : vector<16xf32>
        %parallel_loop3A_775 = arith.mulf %parallel_loop3A_431, %parallel_loop3A_557 : vector<16xf32>
        %parallel_loop3A_776 = arith.addf %parallel_loop3A_772, %parallel_loop3A_775 : vector<16xf32>
        %parallel_loop3A_777 = arith.mulf %parallel_loop3A_431, %parallel_loop3A_621 : vector<16xf32>
        %parallel_loop3A_778 = arith.addf %parallel_loop3A_774, %parallel_loop3A_777 : vector<16xf32>
        %parallel_loop3A_779 = arith.addf %parallel_loop3A_776, %parallel_loop3A_627 : vector<16xf32>
        %parallel_loop3A_780 = arith.addf %parallel_loop3A_778, %parallel_loop3A_633 : vector<16xf32>
        %parallel_loop3A_781 = arith.select %parallel_loop3A_469, %parallel_loop3A_779, %parallel_loop3A_780 : vector<16xi1>, vector<16xf32>
        %parallel_loop3A_782 = math.absf %parallel_loop3A_781 : vector<16xf32>
        %parallel_loop3A_783 = arith.constant 0.707106769 : f32
        %parallel_loop3A_784 = vector.broadcast %parallel_loop3A_783 : f32 to vector<16xf32>
        %parallel_loop3A_785 = arith.mulf %parallel_loop3A_782, %parallel_loop3A_784 : vector<16xf32>
        %parallel_loop3A_786 = arith.constant 2.500000e+00 : f32
        %parallel_loop3A_787 = vector.broadcast %parallel_loop3A_786 : f32 to vector<16xf32>
        %parallel_loop3A_788 = arith.minimumf %parallel_loop3A_785, %parallel_loop3A_787 : vector<16xf32>
        %parallel_loop3A_789 = arith.mulf %parallel_loop3A_788, %parallel_loop3A_788 : vector<16xf32>
        %parallel_loop3A_790 = arith.constant -1.30228415E-8 : f32
        %parallel_loop3A_791 = vector.broadcast %parallel_loop3A_790 : f32 to vector<16xf32>
        %parallel_loop3A_792 = arith.mulf %parallel_loop3A_791, %parallel_loop3A_789 : vector<16xf32>
        %parallel_loop3A_793 = arith.constant 4.94881192E-7 : f32
        %parallel_loop3A_794 = vector.broadcast %parallel_loop3A_793 : f32 to vector<16xf32>
        %parallel_loop3A_795 = arith.addf %parallel_loop3A_792, %parallel_loop3A_794 : vector<16xf32>
        %parallel_loop3A_796 = arith.mulf %parallel_loop3A_795, %parallel_loop3A_789 : vector<16xf32>
        %parallel_loop3A_797 = arith.constant -8.76411741E-6 : f32
        %parallel_loop3A_798 = vector.broadcast %parallel_loop3A_797 : f32 to vector<16xf32>
        %parallel_loop3A_799 = arith.addf %parallel_loop3A_796, %parallel_loop3A_798 : vector<16xf32>
        %parallel_loop3A_800 = arith.mulf %parallel_loop3A_799, %parallel_loop3A_789 : vector<16xf32>
        %parallel_loop3A_801 = arith.constant 9.82766796E-5 : f32
        %parallel_loop3A_802 = vector.broadcast %parallel_loop3A_801 : f32 to vector<16xf32>
        %parallel_loop3A_803 = arith.addf %parallel_loop3A_800, %parallel_loop3A_802 : vector<16xf32>
        %parallel_loop3A_804 = arith.mulf %parallel_loop3A_803, %parallel_loop3A_789 : vector<16xf32>
        %parallel_loop3A_805 = arith.constant -8.02004652E-4 : f32
        %parallel_loop3A_806 = vector.broadcast %parallel_loop3A_805 : f32 to vector<16xf32>
        %parallel_loop3A_807 = arith.addf %parallel_loop3A_804, %parallel_loop3A_806 : vector<16xf32>
        %parallel_loop3A_808 = arith.mulf %parallel_loop3A_807, %parallel_loop3A_789 : vector<16xf32>
        %parallel_loop3A_809 = arith.constant 0.0051451982 : f32
        %parallel_loop3A_810 = vector.broadcast %parallel_loop3A_809 : f32 to vector<16xf32>
        %parallel_loop3A_811 = arith.addf %parallel_loop3A_808, %parallel_loop3A_810 : vector<16xf32>
        %parallel_loop3A_812 = arith.mulf %parallel_loop3A_811, %parallel_loop3A_789 : vector<16xf32>
        %parallel_loop3A_813 = arith.constant -0.0267974101 : f32
        %parallel_loop3A_814 = vector.broadcast %parallel_loop3A_813 : f32 to vector<16xf32>
        %parallel_loop3A_815 = arith.addf %parallel_loop3A_812, %parallel_loop3A_814 : vector<16xf32>
        %parallel_loop3A_816 = arith.mulf %parallel_loop3A_815, %parallel_loop3A_789 : vector<16xf32>
        %parallel_loop3A_817 = arith.constant 0.112807103 : f32
        %parallel_loop3A_818 = vector.broadcast %parallel_loop3A_817 : f32 to vector<16xf32>
        %parallel_loop3A_819 = arith.addf %parallel_loop3A_816, %parallel_loop3A_818 : vector<16xf32>
        %parallel_loop3A_820 = arith.mulf %parallel_loop3A_819, %parallel_loop3A_789 : vector<16xf32>
        %parallel_loop3A_821 = arith.constant -3.761210e-01 : f32
        %parallel_loop3A_822 = vector.broadcast %parallel_loop3A_821 : f32 to vector<16xf32>
        %parallel_loop3A_823 = arith.addf %parallel_loop3A_820, %parallel_loop3A_822 : vector<16xf32>
        %parallel_loop3A_824 = arith.mulf %parallel_loop3A_823, %parallel_loop3A_789 : vector<16xf32>
        %parallel_loop3A_825 = arith.constant 1.12837899 : f32
        %parallel_loop3A_826 = vector.broadcast %parallel_loop3A_825 : f32 to vector<16xf32>
        %parallel_loop3A_827 = arith.addf %parallel_loop3A_824, %parallel_loop3A_826 : vector<16xf32>
        %parallel_loop3A_828 = arith.mulf %parallel_loop3A_788, %parallel_loop3A_827 : vector<16xf32>
        %parallel_loop3A_829 = arith.mulf %parallel_loop3A_782, %parallel_loop3A_828 : vector<16xf32>
        %parallel_loop3A_830 = arith.addf %parallel_loop3A_781, %parallel_loop3A_829 : vector<16xf32>
        %parallel_loop3A_831 = arith.constant 5.000000e-01 : f32
        %parallel_loop3A_832 = vector.broadcast %parallel_loop3A_831 : f32 to vector<16xf32>
        %parallel_loop3A_833 = arith.mulf %parallel_loop3A_832, %parallel_loop3A_830 : vector<16xf32>
        %parallel_loop3A_834 = tpu.bitcast %parallel_loop3A_833 : vector<16xf32> -> vector<16xi32>
        %parallel_loop3A_835 = arith.constant 16 : i32
        %parallel_loop3A_836 = vector.broadcast %parallel_loop3A_835 : i32 to vector<16xi32>
        %parallel_loop3A_837 = arith.shrsi %parallel_loop3A_834, %parallel_loop3A_836 : vector<16xi32>
        %parallel_loop3A_838 = arith.constant 1 : i32
        %parallel_loop3A_839 = vector.broadcast %parallel_loop3A_838 : i32 to vector<16xi32>
        %parallel_loop3A_840 = arith.andi %parallel_loop3A_837, %parallel_loop3A_839 : vector<16xi32>
        %parallel_loop3A_841 = arith.constant 32767 : i32
        %parallel_loop3A_842 = vector.broadcast %parallel_loop3A_841 : i32 to vector<16xi32>
        %parallel_loop3A_843 = arith.addi %parallel_loop3A_842, %parallel_loop3A_840 : vector<16xi32>
        %parallel_loop3A_844 = arith.addi %parallel_loop3A_834, %parallel_loop3A_843 : vector<16xi32>
        %parallel_loop3A_845 = arith.constant -65536 : i32
        %parallel_loop3A_846 = vector.broadcast %parallel_loop3A_845 : i32 to vector<16xi32>
        %parallel_loop3A_847 = arith.andi %parallel_loop3A_844, %parallel_loop3A_846 : vector<16xi32>
        %parallel_loop3A_848 = tpu.bitcast %parallel_loop3A_847 : vector<16xi32> -> vector<16xf32>
        %parallel_loop3A_849 = arith.select %parallel_loop3A_469, %parallel_loop3A_639, %parallel_loop3A_645 : vector<16xi1>, vector<16xf32>
        %parallel_loop3A_850 = arith.mulf %parallel_loop3A_848, %parallel_loop3A_849 : vector<16xf32>
        %parallel_loop3A_851 = arith.addf %scan3A_491, %parallel_loop3A_850 : vector<16xf32>
        scf.yield %parallel_loop3A_748, %parallel_loop3A_851 : vector<16xf32>, vector<16xf32>
      }
      %parallel_loop3A_487 = arith.constant 16 : i32
      %parallel_loop3A_488 = arith.addf %parallel_loop3A_18, %parallel_loop3A_486#0 : vector<16xf32>
      %parallel_loop3A_489 = arith.addf %parallel_loop3A_488, %parallel_loop3A_486#1 : vector<16xf32>
      scf.yield %parallel_loop3A_489 : vector<16xf32>
    } {sc.loop_unroll_factor = 1 : i64, sc.parallel_access}
    %swap3A = arith.constant 0 : index
    %swap3A_14 = tpu.vector_load %arg14[%swap3A] {strides = array<i32>} : memref<16xf32, #tpu.memory_space<vmem>>, vector<16xf32>,
    %swap3A_15 = vector.shape_cast %swap3A_14 : vector<16xf32> to vector<16xf32>
    %swap3A_16 = vector.shape_cast %parallel_loop3A_13 : vector<16xf32> to vector<16xf32>
    tpu.vector_store %arg14[%swap3A], %swap3A_16 {strides = array<i32>} : memref<16xf32, #tpu.memory_space<vmem>>, vector<16xf32>,
    "tpu.region"() ({
      %run_scoped3A_17 = tpu.sem_alloc : memref<!tpu.dma_semaphore, #tpu.memory_space<semaphore_mem>>
      %dma_start3A = arith.constant 0 : i32
      %dma_start3A_18 = tpu.memref_slice %arg4[%add3A, %dma_start3A] : memref<32x16xf32, #tpu.memory_space<hbm>> -> memref<1x16xf32, #tpu.memory_space<hbm>>
      %dma_start3A_19 = tpu.memref_squeeze %dma_start3A_18 : memref<1x16xf32, #tpu.memory_space<hbm>> -> memref<16xf32, #tpu.memory_space<hbm>>
      %dma_start3A_20 = arith.constant 0 : i32
      %dma_start3A_21 = tpu.memref_slice %arg4[%add3A, %dma_start3A_20] : memref<32x16xf32, #tpu.memory_space<hbm>> -> memref<1x16xf32, #tpu.memory_space<hbm>>
      %dma_start3A_22 = tpu.memref_squeeze %dma_start3A_21 : memref<1x16xf32, #tpu.memory_space<hbm>> -> memref<16xf32, #tpu.memory_space<hbm>>
      tpu.enqueue_dma source(%arg14 : memref<16xf32, #tpu.memory_space<vmem>>) target(%dma_start3A_22 : memref<16xf32, #tpu.memory_space<hbm>>) target_semaphore(%run_scoped3A_17 : memref<!tpu.dma_semaphore, #tpu.memory_space<semaphore_mem>>)
      %dma_wait3A = arith.constant 0 : i32
      %dma_wait3A_23 = tpu.memref_slice %arg4[%add3A, %dma_wait3A] : memref<32x16xf32, #tpu.memory_space<hbm>> -> memref<1x16xf32, #tpu.memory_space<hbm>>
      %dma_wait3A_24 = tpu.memref_squeeze %dma_wait3A_23 : memref<1x16xf32, #tpu.memory_space<hbm>> -> memref<16xf32, #tpu.memory_space<hbm>>
      %dma_wait3A_25 = arith.constant 0 : i32
      %dma_wait3A_26 = tpu.memref_slice %arg4[%add3A, %dma_wait3A_25] : memref<32x16xf32, #tpu.memory_space<hbm>> -> memref<1x16xf32, #tpu.memory_space<hbm>>
      %dma_wait3A_27 = tpu.memref_squeeze %dma_wait3A_26 : memref<1x16xf32, #tpu.memory_space<hbm>> -> memref<16xf32, #tpu.memory_space<hbm>>
      tpu.wait_dma2 semaphore(%run_scoped3A_17 : memref<!tpu.dma_semaphore, #tpu.memory_space<semaphore_mem>>) src(%arg14 : memref<16xf32, #tpu.memory_space<vmem>>) dst(%dma_wait3A_27 : memref<16xf32, #tpu.memory_space<hbm>>)
      tpu.yield
    }) : () -> ()
    return
  }
}

</mosaic_0001>

<sc_bundles>
// kernel: kernel.3.cloned.1.call-start
scs
__scs_entry_jumppad:
0x0: {  	(pc) =	sbr.rel $0x88, $3  }
0x1: {  	(tag) =	ssettag $0x0;
	lr =	simm.s32 $0x1  }
0x2: {  	[smem:$0x3F96] =	sst lr;
	_ =	strace $0xD0000000  }
0x3: {  	_ = 	snop  }
0x4: {  	_ = 	snop  }
0x5: {  	_ = 	snop  }
0x6: {  	_ = 	snop  }
0x7: {  	_ = 	snop  }
__scs_overlays_trampoline_lowered:
0x8: {  	[smem:$0x3FA5] =	sst s0  }
0x9: {  	[smem:$0x3FA6] =	sst s1  }
0xa: {  	[smem:$0x3FA7] =	sst s2  }
0xb: {  	[smem:$0x3FA8] =	sst s3  }
0xc: {  	[smem:$0x3FA9] =	sst s4  }
0xd: {  	[smem:$0x3FAA] =	sst s5  }
0xe: {  	[smem:$0x3FAB] =	sst s6  }
0xf: {  	[smem:$0x3FAC] =	sst s7  }
0x10: {  	[smem:$0x3FAD] =	sst s8  }
0x11: {  	[smem:$0x3FAE] =	sst s9;
	s0 =	simm.s32 @!p0 $0x0  }
0x12: {  	s1 =	sld [smem:$0x3F94];
	s0 =	simm.s32 @p0 $0x1  }
0x13: {  	[smem:$0x3FAF] =	sst s0;
	s0 =	simm.s32 @!p1 $0x0  }
0x14: {  	s2 =	sld [smem:$0x3F93];
	s0 =	simm.s32 @p1 $0x1  }
0x15: {  	[smem:$0x3FB0] =	sst s0;
	s0 =	simm.s32 @!p2 $0x0  }
0x16: {  	s3 =	sld [smem:$0x3FDB];
	s0 =	simm.s32 @p2 $0x1  }
0x17: {  	s4 =	simm.s32 $0x1BF5;
	[smem:$0x3FB2] =	sst s0  }
0x18: {  	s0 =	sld [smem:$0x3F95];
	_ =	swait.ge [sflag:s4], $0x0  }
0x19: {  	s7 =	sld [smem:$0x3F96]  }
0x1a: {  	s8 =	sadd.s32 $0xFFFFE003, lr  }
0x1b: {  	s9 =	sadd.s32 $0xFFFFFEF7, lr;
	s5 =	simm.s32 $0xFFFFFFFF;
	p2 =	slt.u32 s8, $0xFFFFF086  }
0x1c: {  	p1 =	slt.u32 s9, $0xF7A;
	s5 =	simm.s32 @!p2 $0x0  }
0x1d: {  	s5 =	simm.s32 @p1 $0x1;
	p0 =	seq.s32 s7, s2  }
0x1e: {  	s7 =	smul.u32 @!p0 $0xF7A, s2;
	p2 =	seq.s32 @!p0 s5, $0x0  }
0x1f: {  	s9 =	smul.u32 $0xF7A, s1;
	s8 =	simm.s32 @!p0 $0x1BF5;
	p2 =	por !p2, p0  }
0x20: {  	[sflag:s8] =	ssyncset.s32 @!p0 $0xFFFFF086;
	s6 =	sadd.s32 @!p0 s3, s7;
	s7 =	simm.s32 @!p0 $0x108  }
0x21: {  	s3 =	sadd.s32 s3, s9;
	s6 =	sadd.s32 @!p0 $0x88, s6;
	s7 =	simm.s32 @p2 $0x1082  }
0x22: {  	[simem:s7], [sflag:s8] =	dma.local @!p0 [hbm:s6], $0xF7A  }
0x23: {  	s9 =	sor.u32 $0xD0000000, s2;
	s6 =	simm.s32 $0x108;
	_ =	swait.ge @!p0 [sflag:s8], $0x0  }
0x24: {  	s3 =	sadd.s32 $0x88, s3;
	s6 =	simm.s32 @!p1 $0x1082;
	[sflag:s4] =	ssyncset.s32 $0xFFFFF086  }
0x25: {  	[simem:s6], [sflag:s4] =	dma.local [hbm:s3], $0xF7A  }
0x26: {  	[smem:$0x3F96] =	sst s1;
	(tag) =	ssettag s2;
	_ =	strace s9  }
0x27: {  	s1 =	sld [smem:$0x3FA6]  }
0x28: {  	s2 =	sld [smem:$0x3FA7]  }
0x29: {  	s4 =	sld [smem:$0x3FA9]  }
0x2a: {  	p0 =	seq.s32 s5, $0x0;
	s5 =	sld [smem:$0x3FAA]  }
0x2b: {  	s6 =	sld [smem:$0x3FAB]  }
0x2c: {  	s7 =	sld [smem:$0x3FAC]  }
0x2d: {  	s3 =	simm.s32 $0x108;
	s8 =	sld [smem:$0x3FAD]  }
0x2e: {  	s3 =	simm.s32 @!p0 $0x1082;
	s9 =	sld [smem:$0x3FAE]  }
0x2f: {  	lr =	sadd.s32 s0, s3;
	s0 =	sld [smem:$0x3FA5]  }
0x30: {  	s3 =	sld [smem:$0x3FA8]  }
0x31: {  	[smem:$0x3FB1] =	sst s10  }
0x32: {  	s10 =	sld [smem:$0x3FAF];
	_ =	sdelay $0x3  }
0x33: {  	p0 =	seq.s32 s10, $0x1;
	s10 =	sld [smem:$0x3FB1];
	_ =	sdelay $0x3  }
0x34: {  	[smem:$0x3FB1] =	sst s10  }
0x35: {  	s10 =	sld [smem:$0x3FB0];
	_ =	sdelay $0x3  }
0x36: {  	p1 =	seq.s32 s10, $0x1;
	s10 =	sld [smem:$0x3FB1];
	_ =	sdelay $0x3  }
0x37: {  	[smem:$0x3FB1] =	sst s10  }
0x38: {  	s10 =	sld [smem:$0x3FB2]  }
0x39: {  	_ = 	snop;
	(pc) =	sbr.ind lr, $3  }
0x3a: {  	_ = 	snop  }
0x3b: {  	_ = 	snop  }
0x3c: {  	p2 =	seq.s32 s10, $0x1;
	s10 =	sld [smem:$0x3FB1]  }
0x3d: {  	_ =	shalt  }
0x3e: {  	_ =	shalt  }
0x3f: {  	_ =	shalt  }
0x40: {  	_ =	shalt  }
0x41: {  	_ =	shalt  }
0x42: {  	_ =	shalt  }
0x43: {  	_ =	shalt  }
0x44: {  	_ =	shalt  }
0x45: {  	_ =	shalt  }
0x46: {  	_ =	shalt  }
0x47: {  	_ =	shalt  }
0x48: {  	_ =	shalt  }
0x49: {  	_ =	shalt  }
0x4a: {  	_ =	shalt  }
0x4b: {  	_ =	shalt  }
0x4c: {  	_ =	shalt  }
0x4d: {  	_ =	shalt  }
0x4e: {  	_ =	shalt  }
0x4f: {  	_ =	shalt  }
0x50: {  	_ =	shalt  }
0x51: {  	_ =	shalt  }
0x52: {  	_ =	shalt  }
0x53: {  	_ =	shalt  }
0x54: {  	_ =	shalt  }
0x55: {  	_ =	shalt  }
0x56: {  	_ =	shalt  }
0x57: {  	_ =	shalt  }
0x58: {  	_ =	shalt  }
0x59: {  	_ =	shalt  }
0x5a: {  	_ =	shalt  }
0x5b: {  	_ =	shalt  }
0x5c: {  	_ =	shalt  }
0x5d: {  	_ =	shalt  }
0x5e: {  	_ =	shalt  }
0x5f: {  	_ =	shalt  }
0x60: {  	_ =	shalt  }
0x61: {  	_ =	shalt  }
0x62: {  	_ =	shalt  }
0x63: {  	_ =	shalt  }
0x64: {  	_ =	shalt  }
0x65: {  	_ =	shalt  }
0x66: {  	_ =	shalt  }
0x67: {  	_ =	shalt  }
0x68: {  	_ =	shalt  }
0x69: {  	_ =	shalt  }
0x6a: {  	_ =	shalt  }
0x6b: {  	_ =	shalt  }
0x6c: {  	_ =	shalt  }
0x6d: {  	_ =	shalt  }
0x6e: {  	_ =	shalt  }
0x6f: {  	_ =	shalt  }
0x70: {  	_ =	shalt  }
0x71: {  	_ =	shalt  }
0x72: {  	_ =	shalt  }
0x73: {  	_ =	shalt  }
0x74: {  	_ =	shalt  }
0x75: {  	_ =	shalt  }
0x76: {  	_ =	shalt  }
0x77: {  	_ =	shalt  }
0x78: {  	_ =	shalt  }
0x79: {  	_ =	shalt  }
0x7a: {  	_ =	shalt  }
0x7b: {  	_ =	shalt  }
0x7c: {  	_ =	shalt  }
0x7d: {  	_ =	shalt  }
0x7e: {  	_ =	shalt  }
0x7f: {  	_ =	shalt  }
0x80: {  	_ =	shalt  }
0x81: {  	_ =	shalt  }
0x82: {  	_ =	shalt  }
0x83: {  	_ =	shalt  }
0x84: {  	_ =	shalt  }
0x85: {  	_ =	shalt  }
0x86: {  	_ =	shalt  }
0x87: {  	_ =	shalt  }
.Lfunc_end0:
.L_simem_size_0:
called_computation_lowered:
.L_overlay_start_0:
0x88: {  	s2 =	sld [smem:$0x3FD9]  }
0x89: {  	s3 =	sld [smem:$0x3FFE];
	_ =	sdelay $0x1  }
0x8a: {  	s1 =	srdreg.scid  }
0x8b: {  	s0 =	sand.u32 $0x1, s1  }
0x8c: {  	s16 =	sshll.u32 s0, $0xA;
	s2 =	sadd.s32 s3, s2  }
0x8d: {  	s2 =	sadd.s32 s2, s16  }
0x8e: {  	[smem:$0x3FBD] =	sst s2  }
0x8f: {  	_ = 	snop  }
0x90: {  	(tm) =	ssettm $0x1  }
0x91: {  	s17 =	sld [smem:$0x3FFB];
	_ =	sdelay $0x3  }
0x92: {  	_ =	strace s17  }
0x93: {  	s2 =	sld [smem:$0x3FFC];
	_ =	sdelay $0x3  }
0x94: {  	_ =	strace s2  }
0x95: {  	s2 =	sld [smem:$0x3FFD];
	_ =	sdelay $0x3  }
0x96: {  	_ =	strace s2  }
0x97: {  	_ =	strace $0x8FFFFFFF  }
0x98: {  	s18 =	sld [smem:$0x3FDB];
	_ =	sdelay $0x1  }
0x99: {  	s19 =	simm.s32 $_scs_section_size  }
0x9a: {  	s4 =	simm.s32 $_size__tile_overlayer_lowered;
	s5 =	simm.s32 $_tile_overlayer_lowered  }
0x9b: {  	s22 =	simm.s32 $0x1BFF;
	s21 =	sshll.u32 s5, $0x1;
	s2 =	sadd.s32 s19, s18  }
0x9c: {  	s6 =	simm.s32 $0x0;
	s20 =	sshll.u32 s4, $0x1;
	s4 =	sadd.s32 s21, s2  }
0x9d: {  	[timem:s6], [sflag:s22] =	dma.local [hbm:s4], s20  }
0x9e: {  	_ =	swait.ge [sflag:s22], s20  }
0x9f: {  	s3 =	ssub.s32 $0x0, s20;
	[sflag:s22] =	ssyncset.done $0x0  }
0xa0: {  	[sflag:s22] =	ssyncadd.s32 s3;
	_ =	sdelay $0x1  }
0xa1: {  	s23 =	simm.s32 $0x1B8B  }
0xa2: {  	_ =	swait.ge [sflag:s23], $0x1  }
0xa3: {  	[sflag:s23] =	ssyncset.done $0x0  }
0xa4: {  	s25 =	simm.s32 $0x1B8E;
	s24 =	sld [smem:$0x3FFE];
	[sflag:s23] =	ssyncadd.s32 $0xFFFFFFFF  }
0xa5: {  	s26 =	simm.s32 $execute0_lowered;
	[smem:$0x3FD2] =	sst s25  }
0xa6: {  	s4 =	sshll.u32 s26, $0x1;
	_ =	strace $0x80000046;
	[dreg:$0x1] =	wrdreg $0xFFFFFFFF  }
0xa7: {  	s28 =	simm.s32 $_size_execute0_lowered;
	s2 =	sadd.s32 s2, s4;
	[dreg:$0x0] =	wrdreg $0x0  }
0xa8: {  	s4 =	sshll.u32 s28, $0x1;
	[dreg:$0x2] =	wrdreg s2  }
0xa9: {  	[dreg:$0x3] =	wrdreg s4  }
0xaa: {  	[dreg:$0x4] =	wrdreg $0xC0  }
0xab: {  	_ =	task [dreg:s6], $0x5FFFF  }
0xac: {  	[dreg:$0x1] =	wrdreg $0xFFFFFFFF  }
0xad: {  	[dreg:$0x0] =	wrdreg $0x60  }
0xae: {  	[dreg:$0x2] =	wrdreg s24  }
0xaf: {  	[dreg:$0x3] =	wrdreg $0x9  }
0xb0: {  	_ =	task.clear_ibuf [dreg:s6], $0x4FFFF;
	_ =	strace $0x90000046  }
0xb1: {  	s29 =	simm.s32 $0x9;
	_ =	strace $0x80000048  }
0xb2: {  	_ =	swait.ge [sflag:s29], $0x1  }
0xb3: {  	[sflag:s29] =	ssyncadd.s32 $0xFFFFFFFF  }
0xb4: {  	_ =	strace $0x90000048  }
0xb5: {  	_ =	sfence  }
0xb6: {  	s30 =	sld [smem:$0x0];
	_ =	sdelay $0x2  }
0xb7: {  	s31 =	sshll.u32 s1, $0xD;
	s1 =	sshrl.u32 s1, $0x2  }
0xb8: {  	s3 =	sand.u32 $0x4000, s31;
	s1 =	sadd.s32 s1, s30  }
0xb9: {  	s0 =	sor.u32 s3, s0;
	s1 =	sshll.u32 s1, $0x11  }
0xba: {  	s0 =	sor.u32 s1, s0  }
0xbb: {  	s0 =	sadd.s32 $0x8F2B, s0  }
0xbc: {  	[sflag:s0] =	ssyncadd.remote.s32 $0x1  }
0xbd: {  	_ =	sfence.sel $0xFFFF  }
0xbe: {  	[dreg:$0x0] =	wrdreg $0xFFFFFFFF;
	(pc) =	sbr.abs _section_cstart, $3  }
0xbf: {  	[dreg:$0x1] =	wrdreg $0xFFFFFFFF  }
0xc0: {  	_ =	task.clear_ibuf [dreg:s6], $0x2FFFF;
	_ =	strace $0x9FFFFFFF  }
0xc1: {  	(tm) =	ssettm $0x7FFFFFFF  }
tec
execute0_lowered:
.L_overlay_start_1:
0x0: {  	(tag) =	ssettag $0x1  }
0x1: {  	s0 =	srdreg.scid  }
0x2: {  	s2 =	stileid.u32;
	s1 =	rddreg [dreg:$0x0]  }
0x3: {  	s14 =	simm.s32 $0x80;
	s15 =	simm.s32 $0x400;
	s16 =	simm.s32 $0x1  }
0x4: {  	s17 =	simm.s32 $0x800;
	s18 =	simm.s32 $0xC00;
	s19 =	simm.s32 $0x1000  }
0x5: {  	s20 =	simm.s32 $0x1400;
	s21 =	simm.s32 $0x1800;
	s22 =	simm.s32 $0x1C00  }
0x6: {  	s23 =	simm.s32 $0x2000;
	s24 =	simm.s32 $0x15800;
	s25 =	simm.s32 $0x0  }
0x7: {  	s0 =	sand.u32 $0x1, s0;
	s3 =	sshll.u32 s2, $0x1;
	s2 =	simm.s32 $0x0  }
0x8: {  	s4 =	sor.u32 s0, s3;
	[smem:$0x7FF] =	sst s2;
	s0 =	ssub.s32 $0x2, s0  }
0x9: {  	s3 =	sshll.u32 s4, $0xA;
	_ =	strace $0x80000047;
	s4 =	sshll.u32 s4, $0x4  }
0xa: {  	s5 =	sshrl.u32 s0, $0x1;
	s11 =	sadd.s32 s3, s1;
	s3 =	sadd.s32 $0x8800, s1  }
0xb: {  	s1 =	sadd.s32 s4, s1;
	s0 =	ssub.s32 s0, s5;
	s4 =	sadd.s32 $0x800, s11  }
0xc: {  	s5 =	sadd.s32 $0x810, s11;
	s6 =	sadd.s32 $0x820, s11;
	s7 =	sadd.s32 $0x830, s11  }
0xd: {  	s8 =	sadd.s32 $0x840, s11;
	s9 =	sadd.s32 $0x850, s11;
	s10 =	sadd.s32 $0x860, s11  }
0xe: {  	s11 =	sadd.s32 $0x870, s11;
	s12 =	sadd.s32 $0xB000, s1;
	s13 =	smax.u32 s0, $0x1  }
.LBB2_1:
0xf: {  	[tilespmem:s2], [sflag:$0x1] =	stream.strided.gather [hbm4b:s4+s14], $0x400, s15, s14, $0x38;
	[tilespmem:$0x15880] =	vst v63  }
0x10: {  	_ =	swait.ge [sflag:s16], $0x400  }
0x11: {  	[sflag:s16] =	ssyncset.done $0x0  }
0x12: {  	[sflag:s16] =	ssyncadd.s32 $0xFFFFFC00  }
0x13: {  	[tilespmem:s15], [sflag:$0x1] =	stream.strided.gather [hbm4b:s5+s14], $0x400, s15, s14, $0x38;
	[tilespmem:$0x15880] =	vst v63  }
0x14: {  	_ =	swait.ge [sflag:s16], $0x400  }
0x15: {  	[sflag:s16] =	ssyncset.done $0x0  }
0x16: {  	[sflag:s16] =	ssyncadd.s32 $0xFFFFFC00  }
0x17: {  	[tilespmem:s17], [sflag:$0x1] =	stream.strided.gather [hbm4b:s6+s14], $0x400, s15, s14, $0x38;
	[tilespmem:$0x15880] =	vst v63  }
0x18: {  	_ =	swait.ge [sflag:s16], $0x400  }
0x19: {  	[sflag:s16] =	ssyncset.done $0x0  }
0x1a: {  	[sflag:s16] =	ssyncadd.s32 $0xFFFFFC00  }
0x1b: {  	[tilespmem:s18], [sflag:$0x1] =	stream.strided.gather [hbm4b:s7+s14], $0x400, s15, s14, $0x38;
	[tilespmem:$0x15880] =	vst v63  }
0x1c: {  	_ =	swait.ge [sflag:s16], $0x400  }
0x1d: {  	[sflag:s16] =	ssyncset.done $0x0  }
0x1e: {  	[sflag:s16] =	ssyncadd.s32 $0xFFFFFC00  }
0x1f: {  	[tilespmem:s19], [sflag:$0x1] =	stream.strided.gather [hbm4b:s8+s14], $0x400, s15, s14, $0x38;
	[tilespmem:$0x15880] =	vst v63  }
0x20: {  	_ =	swait.ge [sflag:s16], $0x400  }
0x21: {  	[sflag:s16] =	ssyncset.done $0x0  }
0x22: {  	[sflag:s16] =	ssyncadd.s32 $0xFFFFFC00  }
0x23: {  	[tilespmem:s20], [sflag:$0x1] =	stream.strided.gather [hbm4b:s9+s14], $0x400, s15, s14, $0x38;
	[tilespmem:$0x15880] =	vst v63  }
0x24: {  	_ =	swait.ge [sflag:s16], $0x400  }
0x25: {  	[sflag:s16] =	ssyncset.done $0x0  }
0x26: {  	[sflag:s16] =	ssyncadd.s32 $0xFFFFFC00  }
0x27: {  	[tilespmem:s21], [sflag:$0x1] =	stream.strided.gather [hbm4b:s10+s14], $0x400, s15, s14, $0x38;
	[tilespmem:$0x15880] =	vst v63  }
0x28: {  	_ =	swait.ge [sflag:s16], $0x400  }
0x29: {  	[sflag:s16] =	ssyncset.done $0x0  }
0x2a: {  	[sflag:s16] =	ssyncadd.s32 $0xFFFFFC00  }
0x2b: {  	[tilespmem:s22], [sflag:$0x1] =	stream.strided.gather [hbm4b:s11+s14], $0x400, s15, s14, $0x38;
	[tilespmem:$0x15880] =	vst v63  }
0x2c: {  	_ =	swait.ge [sflag:s16], $0x400  }
0x2d: {  	[sflag:s16] =	ssyncset.done $0x0  }
0x2e: {  	[sflag:s16] =	ssyncadd.s32 $0xFFFFFC00  }
0x2f: {  	[tilespmem:s23], [sflag:$0x1] =	stream.linear.gather [hbm4b:s3+s2], $0x13800, $0x38;
	[tilespmem:$0x15880] =	vst v63  }
0x30: {  	_ =	swait.ge [sflag:s16], $0x13800  }
0x31: {  	[sflag:s16] =	ssyncset.done $0x0  }
0x32: {  	[sflag:s16] =	ssyncadd.s32 $0xFFFEC800  }
0x33: {  	v0 =	vld [tilespmem:$0xA800]  }
0x34: {  	v51 =	vld [tilespmem:$0xA880]  }
0x35: {  	v52 =	vld [tilespmem:$0xA900]  }
0x36: {  	v53 =	vld [tilespmem:$0xA980]  }
0x37: {  	v54 =	vld [tilespmem:$0xAC00]  }
0x38: {  	v55 =	vld [tilespmem:$0xAC80];
	[tilespmem:$0x1FF20] =	vst v0  }
0x39: {  	v56 =	vld [tilespmem:$0xAD00];
	[tilespmem:$0x1FF30] =	vst v51  }
0x3a: {  	v57 =	vld [tilespmem:$0xAD80];
	[tilespmem:$0x1FF40] =	vst v52  }
0x3b: {  	v58 =	vld [tilespmem:$0xAE00];
	[tilespmem:$0x1FF50] =	vst v53  }
0x3c: {  	v59 =	vld [tilespmem:$0xAE80];
	[tilespmem:$0x1FF60] =	vst v54  }
0x3d: {  	v60 =	vld [tilespmem:$0xAF00];
	[tilespmem:$0x1FF70] =	vst v55  }
0x3e: {  	v61 =	vld [tilespmem:$0xAF80];
	[tilespmem:$0x1FF80] =	vst v56  }
0x3f: {  	v62 =	vld [tilespmem:$0xB000];
	[tilespmem:$0x1FF90] =	vst v57  }
0x40: {  	v63 =	vld [tilespmem:$0x15080];
	[tilespmem:$0x1FFA0] =	vst v58  }
0x41: {  	v4 =	vld [tilespmem:$0xAA00];
	[tilespmem:$0x1FFB0] =	vst v59  }
0x42: {  	v5 =	vld [tilespmem:$0xAA80];
	[tilespmem:$0x1FFC0] =	vst v60  }
0x43: {  	v6 =	vld [tilespmem:$0xAB00];
	[tilespmem:$0x1FFD0] =	vst v61  }
0x44: {  	v7 =	vld [tilespmem:$0xAB80];
	[tilespmem:$0x1FFE0] =	vst v62  }
0x45: {  	v19 =	vimm.f32 $0.0e+00;
	s26 =	simm.s32 $0x0;
	v18 =	vld [tilespmem:$0x15100];
	[tilespmem:$0x1FFF0] =	vst v63  }
.LBB2_2:
0x46: {  	s0 =	sshll.u32 s26, $0x5  }
0x47: {  	v20 =	vld [tilespmem:s0+$0x0]  }
0x48: {  	v21 =	vld [tilespmem:s0+$0x400]  }
0x49: {  	v22 =	vld [tilespmem:s0+$0x10]  }
0x4a: {  	s1 =	simm.s32 $0x2200;
	v23 =	vld [tilespmem:s0+$0x410]  }
0x4b: {  	v8 =	vld [tilespmem:s1+$0xFFFFFE80]  }
0x4c: {  	v9 =	vld [tilespmem:s1+$0xFFFFFE00]  }
0x4d: {  	v24 =	vld [tilespmem:s0+$0x810]  }
0x4e: {  	v33 =	vld [tilespmem:s1+$0xFFFFFF00]  }
0x4f: {  	v25 =	vld [tilespmem:s0+$0xC10]  }
0x50: {  	v36 =	vld [tilespmem:s1+$0xFFFFFF80]  }
0x51: {  	v26 =	vld [tilespmem:s0+$0x1010]  }
0x52: {  	v38 =	vld [tilespmem:s1+$0x0]  }
0x53: {  	v27 =	vld [tilespmem:s0+$0x1410]  }
0x54: {  	v39 =	vld [tilespmem:s1+$0x80]  }
0x55: {  	v40 =	vld [tilespmem:s1+$0x100]  }
0x56: {  	s30 =	simm.s32 $0x0;
	v41 =	vld [tilespmem:s1+$0x180];
	v28 =	vmul.f32 v8, v23;
	v29 =	vmul.f32 v9, v22  }
0x57: {  	s31 =	simm.s32 $0x2600;
	v42 =	vld [tilespmem:s30+$0x6000]  }
0x58: {  	v61 =	vld [tilespmem:s31+$0xFFFFFE80];
	v30 =	vmul.f32 v33, v24;
	v29 =	vadd.f32 v28, v29  }
0x59: {  	v44 =	vld [tilespmem:s31+$0xFFFFFE00]  }
0x5a: {  	v63 =	vld [tilespmem:s31+$0xFFFFFF00];
	v31 =	vmul.f32 v36, v25;
	v30 =	vadd.f32 v30, v29  }
0x5b: {  	v28 =	vld [tilespmem:s0+$0x1810]  }
0x5c: {  	v32 =	vmul.f32 v38, v26;
	v31 =	vadd.f32 v31, v30;
	v30 =	vld [tilespmem:s0+$0x800]  }
0x5d: {  	v29 =	vld [tilespmem:s0+$0x1C10]  }
0x5e: {  	v34 =	vmul.f32 v39, v27;
	v32 =	vadd.f32 v32, v31;
	v31 =	vld [tilespmem:s0+$0xC00]  }
0x5f: {  	v48 =	vld [tilespmem:s30+$0x6800];
	v8 =	vmul.f32 v8, v21;
	v9 =	vmul.f32 v9, v20  }
0x60: {  	v35 =	vmul.f32 v40, v28;
	v34 =	vadd.f32 v34, v32;
	v32 =	vld [tilespmem:s0+$0x1000]  }
0x61: {  	v1 =	vld [tilespmem:s31+$0xFFFFFF80];
	v8 =	vadd.f32 v8, v9;
	v33 =	vmul.f32 v33, v30  }
0x62: {  	v37 =	vmul.f32 v41, v29;
	v35 =	vadd.f32 v35, v34;
	v34 =	vld [tilespmem:s0+$0x1400]  }
0x63: {  	v54 =	vld [tilespmem:s31+$0x80];
	v36 =	vmul.f32 v36, v31;
	v8 =	vadd.f32 v33, v8  }
0x64: {  	v9 =	vadd.f32 v37, v35;
	v35 =	vld [tilespmem:s0+$0x1800]  }
0x65: {  	v2 =	vmul.f32 v61, v21;
	v37 =	vld [tilespmem:s0+$0x1C00];
	v38 =	vmul.f32 v38, v32;
	v8 =	vadd.f32 v36, v8  }
0x66: {  	v49 =	vld [tilespmem:s30+$0x7000];
	v46 =	vmul.f32 v44, v22;
	v12 =	vmul.f32 v44, v20;
	v9 =	vadd.f32 v9, v42  }
0x67: {  	v52 =	vld [tilespmem:s31+$0x0];
	v15 =	vmul.f32 v1, v25;
	v8 =	vadd.f32 v38, v8;
	v60 =	vmul.f32 v39, v34  }
0x68: {  	v50 =	vld [tilespmem:s30+$0x7800];
	v59 =	vmul.f32 v54, v27;
	v39 =	vmul.f32 v61, v23;
	v9 =	vmax.f32 v9, $0.0e+00  }
0x69: {  	v44 =	vld [tilespmem:s31+$0x100];
	v53 =	vmul.f32 v63, v30;
	v43 =	vshrl.u32 v9, $0x10;
	v8 =	vadd.f32 v60, v8  }
0x6a: {  	v47 =	vld [tilespmem:s30+$0x8000];
	v62 =	vmul.f32 v40, v35;
	v0 =	vmul.f32 v41, v37;
	v39 =	vadd.f32 v39, v46  }
0x6b: {  	v36 =	vld [tilespmem:s30+$0x9800];
	v40 =	vmul.f32 v63, v24;
	v41 =	vmul.f32 v1, v31;
	v43 =	vand.u32 $0x1, v43  }
0x6c: {  	v63 =	vmul.f32 v52, v26;
	v1 =	vld [tilespmem:$0x1FF30];
	v9 =	vadd.s32 v43, v9;
	v8 =	vadd.f32 v62, v8  }
0x6d: {  	v33 =	vld [tilespmem:s30+$0x8800];
	v60 =	vmul.f32 v54, v34;
	v56 =	vadd.f32 v40, v39;
	v9 =	vadd.s32 $0x7FFF, v9  }
0x6e: {  	v62 =	vmul.f32 v44, v28;
	v9 =	vand.u32 $0xFFFF0000, v9;
	v8 =	vadd.f32 v0, v8;
	v0 =	vld [tilespmem:$0x1FF20]  }
0x6f: {  	v44 =	vmul.f32 v44, v35;
	v43 =	vadd.f32 v15, v56;
	v14 =	vmul.f32 v9, v49  }
0x70: {  	v3 =	vld [tilespmem:$0x1FF50];
	v45 =	vmul.f32 v9, v36;
	v8 =	vadd.f32 v8, v42;
	v42 =	vadd.f32 v2, v12  }
0x71: {  	v13 =	vmul.f32 v9, v48;
	v43 =	vadd.f32 v63, v43;
	v40 =	vadd.f32 v14, v1;
	v14 =	vld [tilespmem:s31+$0x180]  }
0x72: {  	v46 =	vld [tilespmem:s30+$0x9000];
	v51 =	vmul.f32 v9, v33;
	v55 =	vmul.f32 v9, v50;
	v42 =	vadd.f32 v53, v42  }
0x73: {  	v43 =	vadd.f32 v59, v43;
	v39 =	vadd.f32 v13, v0;
	v13 =	vmul.f32 v9, v47  }
0x74: {  	s28 =	simm.s32 $0x80;
	v61 =	vld [tilespmem:s30+$0xA000];
	v12 =	vmul.f32 v52, v32;
	v38 =	vadd.f32 v45, v6;
	v57 =	vadd.f32 v41, v42  }
0x75: {  	v54 =	vld [tilespmem:s28+$0x6000];
	v8 =	vmax.f32 v8, $0.0e+00;
	v63 =	vadd.f32 v62, v43;
	v42 =	vadd.f32 v13, v3  }
0x76: {  	v2 =	vld [tilespmem:$0x1FF40];
	v13 =	vshrl.u32 v8, $0x10;
	v45 =	vadd.f32 v12, v57;
	v12 =	vmul.f32 v14, v29  }
0x77: {  	v15 =	vmul.f32 v9, v46;
	v56 =	vmul.f32 v14, v37;
	v14 =	vand.u32 $0x1, v13  }
0x78: {  	v8 =	vadd.s32 v14, v8;
	v45 =	vadd.f32 v60, v45;
	v52 =	vadd.f32 v12, v63  }
0x79: {  	v9 =	vmul.f32 v9, v61;
	v43 =	vadd.f32 v15, v5;
	v8 =	vadd.s32 $0x7FFF, v8  }
0x7a: {  	v60 =	vand.u32 $0xFFFF0000, v8;
	v45 =	vadd.f32 v44, v45;
	v53 =	vadd.f32 v52, v54  }
0x7b: {  	v41 =	vadd.f32 v55, v2;
	v55 =	vmovc v1;
	v57 =	vld [tilespmem:s28+$0x9800];
	v44 =	vadd.f32 v51, v4;
	v63 =	vmul.f32 v60, v49  }
0x7c: {  	v8 =	vmul.f32 v60, v50;
	v61 =	vmul.f32 v60, v61;
	v50 =	vmovc v7;
	v15 =	vadd.f32 v56, v45  }
0x7d: {  	v59 =	vld [tilespmem:s28+$0x7800];
	v51 =	vmovc v5;
	v49 =	vmovc v3;
	v45 =	vadd.f32 v9, v7;
	v9 =	vmul.f32 v60, v48;
	v62 =	vmax.f32 v53, $0.0e+00  }
0x7e: {  	s29 =	simm.s32 $0x2A00;
	s1 =	simm.s32 $0x400;
	v58 =	vld [tilespmem:s28+$0x8800];
	v56 =	vmovc v0;
	v48 =	vmovc v4;
	v52 =	vadd.f32 v15, v54;
	v54 =	vmov v2;
	v53 =	vmov v6  }
.LBB2_3:
0x7f: {  	v10 =	vld [tilespmem:s29+$0xFFFFFE80];
	p0 =	sne.s32 s1, $0x1E00;
	v11 =	vshrl.u32 v62, $0x10;
	v56 =	vadd.f32 v9, v56;
	v9 =	vmul.f32 v60, v47;
	s30 =	smov.u32 s1;
	s1 =	sadd.s32 $0x200, s1  }
0x80: {  	v55 =	vadd.f32 v63, v55;
	v63 =	vmul.f32 v60, v36;
	v36 =	vmovc v57;
	v47 =	vld [tilespmem:s29+$0xFFFFFE00];
	v11 =	vand.u32 $0x1, v11  }
0x81: {  	v54 =	vadd.f32 v8, v54;
	v8 =	vmul.f32 v60, v46;
	v57 =	vld [tilespmem:s29+$0xFFFFFF00];
	v11 =	vadd.s32 v11, v62  }
0x82: {  	v50 =	vadd.f32 v61, v50;
	v53 =	vadd.f32 v63, v53;
	v62 =	vld [tilespmem:s28+$0x6800];
	v11 =	vadd.s32 $0x7FFF, v11;
	v61 =	vmovc v59  }
0x83: {  	v46 =	vmul.f32 v60, v33;
	v51 =	vadd.f32 v8, v51;
	v63 =	vld [tilespmem:s28+$0x7000];
	v11 =	vand.u32 $0xFFFF0000, v11;
	v33 =	vmovc v58  }
0x84: {  	v49 =	vadd.f32 v9, v49;
	v8 =	vld [tilespmem:s29+$0xFFFFFF80];
	v58 =	vmul.f32 v10, v21;
	v59 =	vmul.f32 v11, v36  }
0x85: {  	v48 =	vadd.f32 v46, v48;
	v9 =	vmul.f32 v10, v23;
	v10 =	vmul.f32 v11, v33  }
0x86: {  	v46 =	vmul.f32 v47, v22;
	v60 =	vld [tilespmem:s29+$0x0];
	v12 =	vmul.f32 v57, v30  }
0x87: {  	v13 =	vmul.f32 v47, v20;
	v38 =	vadd.f32 v59, v38;
	v47 =	vld [tilespmem:s28+$0x8000];
	v14 =	vmul.f32 v11, v62  }
0x88: {  	v57 =	vmul.f32 v57, v24;
	v9 =	vadd.f32 v9, v46;
	v46 =	vld [tilespmem:s28+$0x9000];
	v59 =	vmul.f32 v11, v63  }
0x89: {  	v0 =	vmul.f32 v11, v61;
	v13 =	vadd.f32 v58, v13;
	v15 =	vld [tilespmem:s29+$0x80];
	v58 =	vmul.f32 v8, v25  }
0x8a: {  	v8 =	vmul.f32 v8, v31;
	v9 =	vadd.f32 v57, v9;
	v39 =	vadd.f32 v14, v39;
	v16 =	vld [tilespmem:s28+$0xA000]  }
0x8b: {  	v12 =	vadd.f32 v12, v13;
	v40 =	vadd.f32 v59, v40;
	v14 =	vld [tilespmem:s29+$0x100];
	v13 =	vmul.f32 v60, v26  }
0x8c: {  	v57 =	vmul.f32 v60, v32;
	v9 =	vadd.f32 v58, v9;
	v58 =	vmul.f32 v11, v47  }
0x8d: {  	v41 =	vadd.f32 v0, v41;
	v8 =	vadd.f32 v8, v12;
	v59 =	vld [tilespmem:s29+$0x180];
	v0 =	vmul.f32 v11, v46  }
0x8e: {  	v9 =	vadd.f32 v13, v9;
	v12 =	vmul.f32 v15, v27;
	v42 =	vadd.f32 v58, v42  }
0x8f: {  	v8 =	vadd.f32 v57, v8;
	v13 =	vmul.f32 v15, v34;
	v11 =	vmul.f32 v11, v16  }
0x90: {  	s28 =	sshra.s32 s30, $0x2;
	v43 =	vadd.f32 v0, v43;
	v9 =	vadd.f32 v12, v9;
	v12 =	vmul.f32 v14, v28  }
0x91: {  	v8 =	vadd.f32 v13, v8;
	v13 =	vmul.f32 v14, v35;
	v14 =	vmax.f32 v52, $0.0e+00;
	v0 =	vld [tilespmem:s28+$0x6000]  }
0x92: {  	v15 =	vshrl.u32 v14, $0x10;
	v57 =	vld [tilespmem:s28+$0x9800];
	v9 =	vadd.f32 v12, v9;
	v12 =	vmul.f32 v59, v29  }
0x93: {  	v8 =	vadd.f32 v13, v8;
	v13 =	vmul.f32 v59, v37;
	v15 =	vand.u32 $0x1, v15  }
.Ltmp0:
0x94: {  	v44 =	vadd.f32 v10, v44;
	v9 =	vadd.f32 v12, v9;
	v12 =	vadd.s32 v15, v14;
	(pc) =	sbr.rel @p0 .LBB2_3-.Ltmp0, $4  }
0x95: {  	v45 =	vadd.f32 v11, v45;
	v8 =	vadd.f32 v13, v8;
	v10 =	vadd.s32 $0x7FFF, v12  }
0x96: {  	v11 =	vadd.f32 v9, v0;
	v60 =	vand.u32 $0xFFFF0000, v10  }
0x97: {  	v52 =	vadd.f32 v8, v0;
	v59 =	vld [tilespmem:s28+$0x7800];
	v9 =	vmul.f32 v60, v62;
	v63 =	vmul.f32 v60, v63  }
0x98: {  	s29 =	sadd.s32 $0x400, s29;
	v8 =	vmul.f32 v60, v61;
	v61 =	vmul.f32 v60, v16;
	v58 =	vld [tilespmem:s28+$0x8800];
	v62 =	vmax.f32 v11, $0.0e+00  }
0x99: {  	v0 =	vshrl.u32 v62, $0x10;
	v9 =	vadd.f32 v9, v56;
	v10 =	vmul.f32 v60, v47  }
0x9a: {  	v11 =	vadd.f32 v63, v55;
	v12 =	vmul.f32 v60, v36;
	v13 =	vld [tilespmem:s28+$0x6800];
	v14 =	vmul.f32 v60, v46  }
0x9b: {  	v15 =	vld [tilespmem:s28+$0x7000];
	v16 =	vmul.f32 v60, v33;
	v26 =	vmax.f32 v52, $0.0e+00;
	v0 =	vand.u32 $0x1, v0  }
0x9c: {  	v20 =	vld [tilespmem:s28+$0x8000];
	v8 =	vadd.f32 v8, v54;
	v21 =	vadd.f32 v61, v50;
	v0 =	vadd.s32 v0, v62  }
0x9d: {  	v30 =	vshrl.u32 v26, $0x10;
	v12 =	vadd.f32 v12, v53;
	v0 =	vadd.s32 $0x7FFF, v0  }
0x9e: {  	v23 =	vld [tilespmem:s28+$0x9000];
	v14 =	vadd.f32 v14, v51;
	v10 =	vadd.f32 v10, v49;
	v0 =	vand.u32 $0xFFFF0000, v0  }
0x9f: {  	v16 =	vadd.f32 v16, v48;
	v30 =	vand.u32 $0x1, v30;
	v25 =	vmul.f32 v0, v13  }
0xa0: {  	v26 =	vadd.s32 v30, v26;
	v22 =	vmul.f32 v0, v57;
	v28 =	vmul.f32 v0, v15  }
0xa1: {  	v24 =	vmul.f32 v0, v58;
	v31 =	vadd.f32 v25, v39;
	v25 =	vmul.f32 v0, v20  }
0xa2: {  	v29 =	vmul.f32 v0, v59;
	v27 =	vadd.f32 v22, v38;
	v32 =	vadd.f32 v28, v40  }
0xa3: {  	v28 =	vmul.f32 v0, v23;
	v30 =	vadd.f32 v25, v42;
	v25 =	vadd.s32 $0x7FFF, v26  }
0xa4: {  	v22 =	vld [tilespmem:s28+$0xA000];
	v29 =	vadd.f32 v29, v41;
	v55 =	vadd.f32 v24, v44;
	v25 =	vand.u32 $0xFFFF0000, v25  }
0xa5: {  	v54 =	vadd.f32 v28, v43;
	v38 =	vshrl.u32 v31, $0x10;
	v13 =	vmul.f32 v25, v13  }
0xa6: {  	v39 =	vshrl.u32 v29, $0x10;
	v15 =	vmul.f32 v25, v15;
	v24 =	vmul.f32 v25, v59  }
0xa7: {  	v43 =	vshrl.u32 v27, $0x10;
	v56 =	vmul.f32 v25, v20;
	v20 =	vmul.f32 v25, v57  }
0xa8: {  	v57 =	vmul.f32 v25, v23;
	v40 =	vshrl.u32 v30, $0x10;
	v9 =	vadd.f32 v13, v9  }
0xa9: {  	v0 =	vmul.f32 v0, v22;
	v11 =	vadd.f32 v15, v11;
	v8 =	vadd.f32 v24, v8  }
0xaa: {  	v22 =	vmul.f32 v25, v22;
	v12 =	vadd.f32 v20, v12;
	v14 =	vadd.f32 v57, v14  }
0xab: {  	v42 =	vshrl.u32 v54, $0x10;
	v10 =	vadd.f32 v56, v10;
	v0 =	vadd.f32 v0, v45  }
0xac: {  	v35 =	vadd.f32 v22, v21;
	v21 =	vmul.f32 v25, v58;
	v20 =	vshrl.u32 v9, $0x10  }
0xad: {  	v22 =	vshrl.u32 v11, $0x10;
	v62 =	vshrl.u32 v8, $0x10;
	v63 =	vshrl.u32 v10, $0x10  }
0xae: {  	v37 =	vshrl.u32 v12, $0x10;
	v20 =	vand.u32 $0x1, v20;
	v59 =	vand.u32 $0x1, v22  }
0xaf: {  	v60 =	vadd.f32 v21, v16;
	v9 =	vadd.s32 v20, v9;
	v11 =	vadd.s32 v59, v11  }
0xb0: {  	v45 =	vshrl.u32 v0, $0x10;
	v9 =	vadd.s32 $0x7FFF, v9;
	v61 =	vadd.s32 $0x7FFF, v11  }
0xb1: {  	v11 =	vand.u32 $0x1, v63;
	v1 =	vshrl.u32 v60, $0x10;
	v26 =	vand.u32 $0xFFFF0000, v9  }
0xb2: {  	v25 =	vand.u32 $0xFFFF0000, v61;
	v9 =	vand.u32 $0x1, v62;
	v2 =	vadd.s32 v11, v10  }
0xb3: {  	v34 =	vand.u32 $0x1, v1;
	v11 =	vand.u32 $0x1, v40;
	v8 =	vadd.s32 v9, v8  }
0xb4: {  	v9 =	vadd.s32 $0x7FFF, v2;
	v10 =	vadd.s32 v34, v60;
	v11 =	vadd.s32 v11, v30  }
0xb5: {  	v8 =	vadd.s32 $0x7FFF, v8;
	v23 =	vand.u32 $0xFFFF0000, v9;
	v9 =	vand.u32 $0x1, v37  }
0xb6: {  	v41 =	vadd.s32 $0x7FFF, v11;
	v11 =	vand.u32 $0x1, v43;
	v24 =	vand.u32 $0xFFFF0000, v8  }
0xb7: {  	v1 =	vld [tilespmem:$0x1FF60];
	v8 =	vadd.s32 $0x7FFF, v10;
	v9 =	vadd.s32 v9, v12;
	v10 =	vand.u32 $0x1, v38  }
0xb8: {  	v11 =	vadd.s32 v11, v27;
	v21 =	vand.u32 $0xFFFF0000, v8;
	v8 =	vshrl.u32 v14, $0x10  }
0xb9: {  	v3 =	vld [tilespmem:$0x1FF80];
	v9 =	vadd.s32 $0x7FFF, v9;
	v10 =	vadd.s32 v10, v31;
	v8 =	vand.u32 $0x1, v8  }
0xba: {  	s0 =	simm.s32 $0xD080;
	v17 =	vld [tilespmem:$0x1FF90];
	v44 =	vadd.s32 $0x7FFF, v11;
	v20 =	vand.u32 $0xFFFF0000, v9;
	v8 =	vadd.s32 v8, v14  }
0xbb: {  	v11 =	vld [tilespmem:s0+$0x2000];
	v9 =	vshrl.u32 v35, $0x10;
	v27 =	vand.u32 $0xFFFF0000, v44;
	v8 =	vadd.s32 $0x7FFF, v8  }
0xbc: {  	v53 =	vld [tilespmem:$0x1FFA0];
	v63 =	vmul.f32 v26, v1;
	v22 =	vand.u32 $0xFFFF0000, v8;
	v8 =	vadd.s32 $0x7FFF, v10  }
0xbd: {  	s28 =	simm.s32 $0x0;
	v2 =	vld [tilespmem:$0x1FF70];
	v10 =	vand.u32 $0x1, v39;
	v28 =	vand.u32 $0xFFFF0000, v8;
	v8 =	vshrl.u32 v32, $0x10  }
0xbe: {  	v9 =	vand.u32 $0x1, v9;
	v39 =	vld [tilespmem:s28+$0xB200];
	v10 =	vadd.s32 v10, v29;
	v8 =	vand.u32 $0x1, v8  }
0xbf: {  	v13 =	vld [tilespmem:s28+$0xB100];
	v29 =	vand.u32 $0xFFFF0000, v41;
	v16 =	vmul.f32 v28, v1;
	v8 =	vadd.s32 v8, v32  }
0xc0: {  	v38 =	vld [tilespmem:s28+$0xB180];
	v48 =	vmul.f32 v29, v17;
	v37 =	vmul.f32 v28, v11;
	v8 =	vadd.s32 $0x7FFF, v8  }
0xc1: {  	v41 =	vld [tilespmem:s28+$0xF200];
	v11 =	vmul.f32 v26, v11;
	v34 =	vand.u32 $0xFFFF0000, v8;
	v8 =	vadd.s32 $0x7FFF, v10  }
0xc2: {  	v14 =	vld [tilespmem:s28+$0xF100];
	v10 =	vand.u32 $0x1, v42;
	v30 =	vand.u32 $0xFFFF0000, v8;
	v8 =	vshrl.u32 v55, $0x10  }
0xc3: {  	v43 =	vld [tilespmem:s28+$0xF280];
	v58 =	vmul.f32 v29, v39;
	v46 =	vmul.f32 v34, v2;
	v8 =	vand.u32 $0x1, v8  }
0xc4: {  	v12 =	vld [tilespmem:s28+$0xB080];
	v10 =	vadd.s32 v10, v54;
	v49 =	vmul.f32 v34, v13;
	v8 =	vadd.s32 v8, v55  }
0xc5: {  	v42 =	vld [tilespmem:s28+$0xB280];
	v47 =	vadd.f32 v46, v16;
	v16 =	vmul.f32 v30, v3;
	v8 =	vadd.s32 $0x7FFF, v8  }
0xc6: {  	v59 =	vmul.f32 v29, v41;
	v31 =	vand.u32 $0xFFFF0000, v8;
	v8 =	vadd.s32 $0x7FFF, v10;
	v10 =	vld [tilespmem:s28+$0xF180]  }
0xc7: {  	v54 =	vld [tilespmem:$0x1FFB0];
	v50 =	vmul.f32 v30, v38;
	v15 =	vadd.f32 v16, v47;
	v16 =	vmul.f32 v34, v14  }
0xc8: {  	v14 =	vmul.f32 v25, v14;
	v32 =	vand.u32 $0xFFFF0000, v8;
	v8 =	vand.u32 $0x1, v45  }
0xc9: {  	v44 =	vld [tilespmem:s28+$0xB300];
	v57 =	vmul.f32 v31, v53;
	v0 =	vadd.s32 v8, v0;
	v8 =	vmul.f32 v28, v12  }
0xca: {  	v9 =	vadd.s32 v9, v35;
	v1 =	vld [tilespmem:$0x1FFC0];
	v60 =	vmul.f32 v31, v42;
	v62 =	vmul.f32 v31, v43  }
0xcb: {  	v45 =	vld [tilespmem:s28+$0xF300];
	v16 =	vadd.f32 v16, v37;
	v8 =	vadd.f32 v49, v8;
	v56 =	vmul.f32 v30, v10  }
0xcc: {  	v46 =	vld [tilespmem:s28+$0xF380];
	v15 =	vadd.f32 v48, v15;
	v61 =	vmul.f32 v32, v54;
	v0 =	vadd.s32 $0x7FFF, v0  }
0xcd: {  	v33 =	vand.u32 $0xFFFF0000, v0;
	v0 =	vld [tilespmem:s28+$0xB380];
	v8 =	vadd.f32 v50, v8;
	v16 =	vadd.f32 v56, v16  }
0xce: {  	v47 =	vld [tilespmem:s28+$0xB400];
	v52 =	vmul.f32 v32, v44;
	v11 =	vadd.f32 v14, v11;
	v15 =	vadd.f32 v57, v15  }
0xcf: {  	v8 =	vadd.f32 v58, v8;
	v58 =	vmul.f32 v25, v2;
	v2 =	vld [tilespmem:$0x1FFD0];
	v16 =	vadd.f32 v59, v16  }
0xd0: {  	v49 =	vld [tilespmem:s28+$0xF400];
	v10 =	vmul.f32 v24, v10;
	v15 =	vadd.f32 v61, v15;
	v55 =	vmul.f32 v32, v45  }
0xd1: {  	v56 =	vmul.f32 v27, v1;
	v8 =	vadd.f32 v60, v8;
	v16 =	vadd.f32 v62, v16  }
0xd2: {  	v51 =	vld [tilespmem:s28+$0x13080];
	v57 =	vmul.f32 v27, v0;
	v59 =	vmul.f32 v27, v46;
	v48 =	vadd.f32 v58, v63  }
0xd3: {  	v63 =	vmul.f32 v24, v3;
	v3 =	vld [tilespmem:$0x1FFE0];
	v8 =	vadd.f32 v52, v8;
	v16 =	vadd.f32 v55, v16  }
0xd4: {  	v61 =	vmul.f32 v33, v47;
	v15 =	vadd.f32 v56, v15;
	v52 =	vld [tilespmem:s28+$0x13880];
	v60 =	vmul.f32 v33, v2  }
0xd5: {  	v62 =	vmul.f32 v33, v49;
	v8 =	vadd.f32 v57, v8;
	v16 =	vadd.f32 v59, v16  }
0xd6: {  	v9 =	vadd.s32 $0x7FFF, v9;
	v10 =	vadd.f32 v10, v11;
	v15 =	vadd.f32 v60, v15  }
0xd7: {  	v35 =	vand.u32 $0xFFFF0000, v9;
	v8 =	vadd.f32 v61, v8;
	v16 =	vadd.f32 v62, v16  }
0xd8: {  	v50 =	vmul.f32 v23, v17;
	v48 =	vadd.f32 v63, v48;
	v15 =	vadd.f32 v15, v3  }
0xd9: {  	v12 =	vmul.f32 v26, v12;
	v8 =	vadd.f32 v51, v8;
	v16 =	vadd.f32 v52, v16  }
0xda: {  	v56 =	vmul.f32 v21, v53;
	v55 =	vadd.f32 v50, v48;
	vm0 =	vge.f32 v15, $0.0e+00  }
0xdb: {  	v59 =	vmul.f32 v24, v38;
	v36 =	vsel vm0, v8, v16;
	v8 =	vmul.f32 v25, v13  }
0xdc: {  	v57 =	vadd.f32 v56, v55;
	v16 =	vmul.f32 v22, v54;
	v37 =	vand.u32 $0x7FFFFFFF, v36  }
0xdd: {  	v60 =	vmul.f32 v23, v39;
	v58 =	vmul.f32 $7.071067690e-01, v37;
	v8 =	vadd.f32 v8, v12  }
0xde: {  	v61 =	vmul.f32 v23, v41;
	v62 =	vmul.f32 v21, v42;
	v13 =	vadd.f32 v16, v57  }
0xdf: {  	v16 =	vmul.f32 v20, v1;
	v40 =	vmin.f32 v58, $2.500000000e+00;
	v8 =	vadd.f32 v59, v8  }
0xe0: {  	v10 =	vadd.f32 v61, v10;
	v1 =	vmul.f32 v21, v43;
	v14 =	vmul.f32 v40, v40  }
0xe1: {  	s1 =	simm.s32 $0xD480;
	v43 =	vmul.f32 v22, v45;
	v45 =	vmul.f32 v20, v46;
	v8 =	vadd.f32 v60, v8  }
0xe2: {  	v15 =	vld [tilespmem:s1+$0x2000];
	v46 =	vmul.f32 v35, v2;
	v13 =	vadd.f32 v16, v13;
	v63 =	vmul.f32 $1.302284150e-08, v14  }
0xe3: {  	s0 =	simm.s32 $0x400;
	v41 =	vmul.f32 v22, v44;
	v10 =	vadd.f32 v1, v10;
	v8 =	vadd.f32 v62, v8  }
0xe4: {  	v16 =	vld [tilespmem:s0+$0xB180];
	v12 =	vadd.f32 v46, v13;
	v42 =	vsub.f32 $4.948811920e-07, v63  }
0xe5: {  	v0 =	vmul.f32 v20, v0;
	v9 =	vadd.f32 v43, v10;
	v10 =	vld [tilespmem:s0+$0xB080];
	v8 =	vadd.f32 v41, v8  }
0xe6: {  	v49 =	vmul.f32 v35, v49;
	v46 =	vld [tilespmem:s0+$0xF280];
	v12 =	vadd.f32 v12, v3;
	v44 =	vmul.f32 v42, v14  }
0xe7: {  	v48 =	vmul.f32 v35, v47;
	v53 =	vmul.f32 v28, v15;
	v13 =	vld [tilespmem:s0+$0xB100];
	v0 =	vadd.f32 v0, v8  }
0xe8: {  	vm1 =	vge.f32 v12, $0.0e+00;
	v12 =	vld [tilespmem:s0+$0xF180];
	v8 =	vadd.f32 v45, v9;
	v11 =	vadd.f32 $-8.764117410e-06, v44  }
0xe9: {  	v15 =	vmul.f32 v26, v15;
	v54 =	vmul.f32 v30, v16;
	v42 =	vld [tilespmem:s0+$0xF200];
	v0 =	vadd.f32 v48, v0  }
0xea: {  	v16 =	vmul.f32 v24, v16;
	v9 =	vld [tilespmem:s0+$0xF100];
	v8 =	vadd.f32 v49, v8;
	v11 =	vmul.f32 v11, v14  }
0xeb: {  	v50 =	vmul.f32 v28, v10;
	v60 =	vmul.f32 v31, v46;
	v45 =	vld [tilespmem:s0+$0xB280];
	v0 =	vadd.f32 v51, v0  }
0xec: {  	v10 =	vmul.f32 v26, v10;
	v8 =	vadd.f32 v52, v8;
	v11 =	vadd.f32 $9.827667960e-05, v11  }
0xed: {  	v56 =	vmul.f32 v30, v12;
	v12 =	vmul.f32 v24, v12  }
0xee: {  	v51 =	vmul.f32 v34, v13;
	v43 =	vsel vm1, v0, v8;
	v0 =	vld [tilespmem:s0+$0xB200];
	v11 =	vmul.f32 v11, v14  }
0xef: {  	v58 =	vmul.f32 v29, v42;
	v52 =	vmul.f32 v34, v9  }
0xf0: {  	v48 =	vld [tilespmem:s0+$0xB300];
	v13 =	vmul.f32 v25, v13;
	v59 =	vmul.f32 v31, v45;
	v8 =	vadd.f32 $-8.020046520e-04, v11  }
0xf1: {  	v9 =	vmul.f32 v25, v9;
	v39 =	vadd.f32 v52, v53;
	v11 =	vadd.f32 v51, v50  }
0xf2: {  	v10 =	vadd.f32 v13, v10;
	v41 =	vand.u32 $0x7FFFFFFF, v43;
	v50 =	vld [tilespmem:s0+$0xF300];
	v8 =	vmul.f32 v8, v14  }
0xf3: {  	v52 =	vld [tilespmem:s0+$0xF380];
	v44 =	vadd.f32 v56, v39;
	v11 =	vadd.f32 v54, v11;
	v57 =	vmul.f32 v29, v0  }
0xf4: {  	v9 =	vadd.f32 v9, v15;
	v55 =	vmul.f32 $7.071067690e-01, v41;
	v51 =	vld [tilespmem:s0+$0xB380];
	v8 =	vadd.f32 $5.145198200e-03, v8  }
0xf5: {  	v53 =	vld [tilespmem:s0+$0xB400];
	v61 =	vmul.f32 v32, v48;
	v44 =	vadd.f32 v58, v44;
	v11 =	vadd.f32 v57, v11  }
0xf6: {  	v10 =	vadd.f32 v16, v10;
	v38 =	vmin.f32 v55, $2.500000000e+00;
	v54 =	vld [tilespmem:s0+$0xF400];
	v8 =	vmul.f32 v8, v14  }
0xf7: {  	v44 =	vadd.f32 v60, v44;
	v63 =	vmul.f32 v32, v50;
	v11 =	vadd.f32 v59, v11  }
0xf8: {  	s30 =	simm.s32 $0x80;
	v39 =	vmul.f32 v38, v38;
	v2 =	vmul.f32 v27, v52;
	v8 =	vadd.f32 $-2.679741010e-02, v8  }
0xf9: {  	v56 =	vld [tilespmem:s30+$0x13080];
	v1 =	vmul.f32 v27, v51;
	v44 =	vadd.f32 v63, v44;
	v11 =	vadd.f32 v61, v11  }
0xfa: {  	v9 =	vadd.f32 v12, v9;
	v57 =	vld [tilespmem:s30+$0x13880];
	v59 =	vmul.f32 v33, v53;
	v8 =	vmul.f32 v8, v14  }
0xfb: {  	v60 =	vmul.f32 v33, v54;
	v44 =	vadd.f32 v2, v44;
	v11 =	vadd.f32 v1, v11  }
0xfc: {  	v0 =	vmul.f32 v23, v0;
	v62 =	vmul.f32 $1.302284150e-08, v39;
	v8 =	vadd.f32 $1.128071030e-01, v8  }
0xfd: {  	v16 =	vmul.f32 v35, v53;
	v44 =	vadd.f32 v60, v44;
	v11 =	vadd.f32 v59, v11  }
0xfe: {  	v0 =	vadd.f32 v0, v10;
	v55 =	vsub.f32 $4.948811920e-07, v62;
	v8 =	vmul.f32 v8, v14  }
0xff: {  	v51 =	vmul.f32 v20, v51;
	v44 =	vadd.f32 v57, v44;
	v11 =	vadd.f32 v56, v11  }
0x100: {  	v62 =	vmul.f32 v21, v45;
	v45 =	vmul.f32 v22, v48;
	v8 =	vadd.f32 $-3.761210140e-01, v8  }
0x101: {  	v61 =	vmul.f32 v23, v42;
	v42 =	vmul.f32 v21, v46;
	v44 =	vsel vm0, v11, v44  }
0x102: {  	v0 =	vadd.f32 v62, v0;
	v47 =	vand.u32 $0x7FFFFFFF, v44;
	v8 =	vmul.f32 v8, v14  }
0x103: {  	s1 =	simm.s32 $0x800;
	v46 =	vmul.f32 v55, v39;
	v9 =	vadd.f32 v61, v9;
	v63 =	vmul.f32 $7.071067690e-01, v47  }
0x104: {  	v55 =	vmul.f32 v20, v52;
	v52 =	vld [tilespmem:s1+$0xF200];
	v0 =	vadd.f32 v45, v0;
	v8 =	vadd.f32 $1.128378990e+00, v8  }
0x105: {  	v48 =	vmul.f32 v22, v50;
	v9 =	vadd.f32 v42, v9;
	v49 =	vmin.f32 v63, $2.500000000e+00  }
0x106: {  	v2 =	vld [tilespmem:$0x1FFF0];
	v0 =	vadd.f32 v51, v0;
	v12 =	vmul.f32 v49, v49;
	v8 =	vmul.f32 v8, v40  }
0x107: {  	v58 =	vmul.f32 v35, v54;
	v9 =	vadd.f32 v48, v9  }
0x108: {  	v0 =	vadd.f32 v16, v0;
	v48 =	vld [tilespmem:s1+$0xF100];
	v50 =	vmul.f32 $1.302284150e-08, v12;
	v8 =	vmul.f32 v8, v37  }
0x109: {  	v1 =	vmul.f32 v29, v52;
	v9 =	vadd.f32 v55, v9;
	v11 =	vld [tilespmem:s1+$0xB080];
	v14 =	vadd.f32 $-8.764117410e-06, v46  }
0x10a: {  	v52 =	vmul.f32 v23, v52;
	v10 =	vsub.f32 $4.948811920e-07, v50;
	v8 =	vadd.f32 v8, v36  }
0x10b: {  	v13 =	vsel vm0, v2, v18;
	v46 =	vld [tilespmem:s1+$0xB100];
	v9 =	vadd.f32 v58, v9;
	v14 =	vmul.f32 v14, v39  }
0x10c: {  	v42 =	vld [tilespmem:s28+$0x14880];
	v0 =	vadd.f32 v56, v0;
	v10 =	vmul.f32 v10, v12;
	v8 =	vmul.f32 $5.000000000e-01, v8  }
0x10d: {  	v9 =	vadd.f32 v57, v9;
	v63 =	vmul.f32 v34, v48;
	v40 =	vld [tilespmem:s28+$0x14080];
	v14 =	vadd.f32 $9.827667960e-05, v14  }
0x10e: {  	s0 =	simm.s32 $0xD880;
	v61 =	vmul.f32 v28, v11;
	v10 =	vadd.f32 $-8.764117410e-06, v10;
	v59 =	vshrl.u32 v8, $0x10  }
0x10f: {  	v15 =	vld [tilespmem:s0+$0x2000];
	v11 =	vmul.f32 v26, v11;
	v14 =	vmul.f32 v14, v39;
	v16 =	vand.u32 $0x1, v59  }
0x110: {  	v62 =	vmul.f32 v34, v46;
	v10 =	vmul.f32 v10, v12;
	v8 =	vadd.s32 v16, v8;
	v16 =	vld [tilespmem:s1+$0xB180]  }
0x111: {  	v46 =	vmul.f32 v25, v46;
	v50 =	vld [tilespmem:s1+$0xF180];
	v14 =	vadd.f32 $-8.020046520e-04, v14;
	v8 =	vadd.s32 $0x7FFF, v8  }
0x112: {  	v51 =	vld [tilespmem:s1+$0xB200];
	v60 =	vsel vm0, v40, v42;
	v10 =	vadd.f32 $9.827667960e-05, v10;
	v8 =	vand.u32 $0xFFFF0000, v8  }
0x113: {  	v36 =	vsel vm1, v0, v9;
	v9 =	vld [tilespmem:s1+$0xB280];
	v14 =	vmul.f32 v14, v39;
	v8 =	vmul.f32 v8, v60  }
0x114: {  	v45 =	vadd.f32 v62, v61;
	v60 =	vmul.f32 v28, v15;
	v10 =	vmul.f32 v10, v12  }
0x115: {  	v54 =	vld [tilespmem:s1+$0xF280];
	v37 =	vand.u32 $0x7FFFFFFF, v36;
	v14 =	vadd.f32 $5.145198200e-03, v14;
	v61 =	vmul.f32 v30, v16  }
0x116: {  	v56 =	vld [tilespmem:s1+$0xB300];
	v62 =	vmul.f32 v30, v50;
	v0 =	vadd.f32 v63, v60;
	v10 =	vadd.f32 $-8.020046520e-04, v10  }
0x117: {  	v57 =	vld [tilespmem:s1+$0xF300];
	v14 =	vmul.f32 v14, v39;
	v63 =	vmul.f32 v29, v51;
	v45 =	vadd.f32 v61, v45  }
0x118: {  	v58 =	vld [tilespmem:s1+$0xB380];
	v55 =	vmul.f32 v31, v9;
	v0 =	vadd.f32 v62, v0;
	v10 =	vmul.f32 v10, v12  }
0x119: {  	v59 =	vld [tilespmem:s1+$0xF380];
	v9 =	vmul.f32 v21, v9;
	v14 =	vadd.f32 $-2.679741010e-02, v14;
	v45 =	vadd.f32 v63, v45  }
0x11a: {  	v61 =	vld [tilespmem:s1+$0xB400];
	v62 =	vmul.f32 v31, v54;
	v0 =	vadd.f32 v1, v0;
	v10 =	vadd.f32 $5.145198200e-03, v10  }
0x11b: {  	v8 =	vadd.f32 v8, v13;
	v13 =	vld [tilespmem:s1+$0xF400];
	v63 =	vmul.f32 v32, v56;
	v45 =	vadd.f32 v55, v45  }
0x11c: {  	v1 =	vmul.f32 v32, v57;
	v0 =	vadd.f32 v62, v0;
	v10 =	vmul.f32 v10, v12  }
0x11d: {  	s29 =	simm.s32 $0x100;
	v60 =	vmul.f32 $7.071067690e-01, v37;
	v62 =	vmul.f32 v27, v58;
	v45 =	vadd.f32 v63, v45  }
0x11e: {  	v53 =	vld [tilespmem:s29+$0x13880];
	v0 =	vadd.f32 v1, v0;
	v1 =	vmul.f32 v27, v59;
	v10 =	vadd.f32 $-2.679741010e-02, v10  }
0x11f: {  	v55 =	vmin.f32 v60, $2.500000000e+00;
	v60 =	vld [tilespmem:s29+$0x13080];
	v63 =	vmul.f32 v33, v61;
	v62 =	vadd.f32 v62, v45  }
0x120: {  	v0 =	vadd.f32 v1, v0;
	v10 =	vmul.f32 v10, v12;
	v1 =	vmul.f32 v33, v13  }
0x121: {  	v15 =	vmul.f32 v26, v15;
	v45 =	vmul.f32 v55, v55;
	v62 =	vadd.f32 v63, v62  }
0x122: {  	v14 =	vmul.f32 v14, v39;
	v0 =	vadd.f32 v1, v0;
	v10 =	vadd.f32 $1.128071030e-01, v10  }
0x123: {  	v11 =	vadd.f32 v46, v11;
	v46 =	vmul.f32 $1.302284150e-08, v45;
	v1 =	vmul.f32 v25, v48  }
0x124: {  	v10 =	vmul.f32 v10, v12;
	v62 =	vadd.f32 v60, v62;
	v0 =	vadd.f32 v53, v0  }
0x125: {  	v13 =	vmul.f32 v35, v13;
	v63 =	vsub.f32 $4.948811920e-07, v46;
	v1 =	vadd.f32 v1, v15  }
0x126: {  	v15 =	vmul.f32 v21, v54;
	v10 =	vadd.f32 $-3.761210140e-01, v10;
	v46 =	vsel vm0, v62, v0  }
0x127: {  	v62 =	vmul.f32 v24, v16;
	v16 =	vmul.f32 v24, v50;
	v48 =	vand.u32 $0x7FFFFFFF, v46  }
0x128: {  	v10 =	vmul.f32 v10, v12;
	v50 =	vmul.f32 $7.071067690e-01, v48  }
0x129: {  	v0 =	vadd.f32 v62, v11;
	v62 =	vmul.f32 v63, v45;
	v63 =	vmul.f32 v23, v51  }
0x12a: {  	v54 =	vmul.f32 v22, v57;
	v57 =	vmul.f32 v20, v59;
	v1 =	vadd.f32 v16, v1  }
0x12b: {  	v51 =	vmin.f32 v50, $2.500000000e+00;
	v10 =	vadd.f32 $1.128378990e+00, v10;
	v0 =	vadd.f32 v63, v0  }
0x12c: {  	v1 =	vadd.f32 v52, v1;
	v63 =	vmul.f32 v22, v56;
	v50 =	vadd.f32 $1.128071030e-01, v14  }
0x12d: {  	v11 =	vadd.f32 $-8.764117410e-06, v62;
	v16 =	vmul.f32 v51, v51;
	v10 =	vmul.f32 v10, v49  }
0x12e: {  	v0 =	vadd.f32 v9, v0;
	v1 =	vadd.f32 v15, v1;
	v12 =	vmul.f32 v50, v39  }
0x12f: {  	v11 =	vmul.f32 v11, v45;
	v62 =	vmul.f32 $1.302284150e-08, v16  }
0x130: {  	v10 =	vmul.f32 v10, v47;
	v0 =	vadd.f32 v63, v0;
	v1 =	vadd.f32 v54, v1  }
0x131: {  	s1 =	simm.s32 $0xC00;
	v56 =	vmul.f32 v20, v58;
	v63 =	vld [tilespmem:s30+$0x14880];
	v12 =	vadd.f32 $-3.761210140e-01, v12;
	v11 =	vadd.f32 $9.827667960e-05, v11  }
0x132: {  	v58 =	vmul.f32 v35, v61;
	v47 =	vld [tilespmem:s1+$0xF100];
	v52 =	vsub.f32 $4.948811920e-07, v62;
	v10 =	vadd.f32 v10, v44  }
0x133: {  	v62 =	vld [tilespmem:s30+$0x14080];
	v0 =	vadd.f32 v56, v0;
	v1 =	vadd.f32 v57, v1;
	v12 =	vmul.f32 v12, v39  }
0x134: {  	v57 =	vld [tilespmem:s1+$0xB100];
	v11 =	vmul.f32 v11, v45;
	v14 =	vmul.f32 v52, v16  }
0x135: {  	v59 =	vmul.f32 $5.000000000e-01, v10;
	v0 =	vadd.f32 v58, v0;
	v1 =	vadd.f32 v13, v1  }
0x136: {  	v39 =	vsel vm1, v40, v42;
	v12 =	vadd.f32 $1.128378990e+00, v12;
	v61 =	vadd.f32 $-8.764117410e-06, v14  }
0x137: {  	v56 =	vld [tilespmem:s1+$0xB080];
	v11 =	vadd.f32 $-8.020046520e-04, v11;
	v52 =	vshrl.u32 v59, $0x10;
	v0 =	vadd.f32 v60, v0  }
0x138: {  	v42 =	vld [tilespmem:s1+$0xB180];
	v1 =	vadd.f32 v53, v1;
	v58 =	vsel vm0, v62, v63;
	v10 =	vmul.f32 v61, v16  }
0x139: {  	s0 =	simm.s32 $0xDC80;
	v54 =	vand.u32 $0x1, v52;
	v60 =	vmul.f32 v34, v57;
	v61 =	vmul.f32 v34, v47  }
0x13a: {  	v52 =	vld [tilespmem:s0+$0x2000];
	v13 =	vmul.f32 v25, v57;
	v47 =	vmul.f32 v25, v47;
	v10 =	vadd.f32 $9.827667960e-05, v10  }
0x13b: {  	v9 =	vadd.s32 v54, v59;
	v40 =	vsel vm1, v0, v1;
	v0 =	vmul.f32 v12, v38  }
0x13c: {  	v49 =	vld [tilespmem:s1+$0xB280];
	v59 =	vmul.f32 v28, v56;
	v9 =	vadd.s32 $0x7FFF, v9;
	v10 =	vmul.f32 v10, v16  }
0x13d: {  	v1 =	vld [tilespmem:s1+$0xF180];
	v38 =	vsel vm1, v62, v63;
	v63 =	vmul.f32 v30, v42;
	v9 =	vand.u32 $0xFFFF0000, v9  }
0x13e: {  	v12 =	vadd.f32 v60, v59;
	v9 =	vmul.f32 v9, v58;
	v10 =	vadd.f32 $-8.020046520e-04, v10  }
0x13f: {  	v14 =	vld [tilespmem:s1+$0xF200];
	v0 =	vmul.f32 v0, v41;
	v41 =	vand.u32 $0x7FFFFFFF, v40;
	v62 =	vmul.f32 v28, v52  }
0x140: {  	v54 =	vld [tilespmem:s1+$0xF280];
	v12 =	vadd.f32 v63, v12;
	v50 =	vadd.f32 v9, v8;
	v8 =	vmul.f32 v10, v16  }
0x141: {  	v15 =	vld [tilespmem:s1+$0xF300];
	v52 =	vmul.f32 v26, v52;
	v63 =	vmul.f32 v31, v49;
	v0 =	vadd.f32 v0, v43  }
0x142: {  	v60 =	vmul.f32 v30, v1;
	v44 =	vadd.f32 v61, v62;
	v10 =	vld [tilespmem:s1+$0xB200];
	v8 =	vadd.f32 $5.145198200e-03, v8  }
0x143: {  	v9 =	vmul.f32 v26, v56;
	v1 =	vmul.f32 v24, v1;
	v47 =	vadd.f32 v47, v52  }
0x144: {  	v56 =	vld [tilespmem:s1+$0xB300];
	v62 =	vmul.f32 v29, v14;
	v44 =	vadd.f32 v60, v44;
	v8 =	vmul.f32 v8, v16  }
0x145: {  	v53 =	vld [tilespmem:s1+$0xF380];
	v14 =	vmul.f32 v23, v14;
	v60 =	vmul.f32 v31, v54;
	v1 =	vadd.f32 v1, v47  }
0x146: {  	v47 =	vmul.f32 $7.071067690e-01, v41;
	v44 =	vadd.f32 v62, v44;
	v8 =	vadd.f32 $-2.679741010e-02, v8  }
0x147: {  	v9 =	vadd.f32 v13, v9;
	v62 =	vmul.f32 v32, v15;
	v61 =	vmul.f32 v29, v10  }
0x148: {  	v57 =	vld [tilespmem:s1+$0xB380];
	v1 =	vadd.f32 v14, v1;
	v44 =	vadd.f32 v60, v44;
	v8 =	vmul.f32 v8, v16  }
0x149: {  	v52 =	vld [tilespmem:s1+$0xB400];
	v10 =	vmul.f32 v23, v10;
	v12 =	vadd.f32 v61, v12;
	v61 =	vmul.f32 v32, v56  }
0x14a: {  	v60 =	vadd.f32 v62, v44;
	v62 =	vmul.f32 v27, v53;
	v8 =	vadd.f32 $1.128071030e-01, v8  }
0x14b: {  	v59 =	vld [tilespmem:s1+$0xF400];
	v12 =	vadd.f32 v63, v12;
	v63 =	vmul.f32 v24, v42;
	v42 =	vmin.f32 v47, $2.500000000e+00  }
0x14c: {  	v13 =	vadd.f32 v62, v60;
	v44 =	vmul.f32 v42, v42;
	v8 =	vmul.f32 v8, v16  }
0x14d: {  	s28 =	simm.s32 $0x180;
	v12 =	vadd.f32 v61, v12;
	v61 =	vmul.f32 v27, v57;
	v9 =	vadd.f32 v63, v9  }
0x14e: {  	v58 =	vld [tilespmem:s28+$0x13080];
	v63 =	vmul.f32 v33, v52;
	v62 =	vmul.f32 $1.302284150e-08, v44;
	v8 =	vadd.f32 $-3.761210140e-01, v8  }
0x14f: {  	v60 =	vld [tilespmem:s28+$0x13880];
	v12 =	vadd.f32 v61, v12;
	v9 =	vadd.f32 v10, v9;
	v61 =	vmul.f32 v21, v49  }
0x150: {  	v49 =	vsub.f32 $4.948811920e-07, v62;
	v8 =	vmul.f32 v8, v16;
	v16 =	vmul.f32 v33, v59  }
0x151: {  	v11 =	vmul.f32 v11, v45;
	v12 =	vadd.f32 v63, v12;
	v9 =	vadd.f32 v61, v9  }
0x152: {  	v63 =	vmul.f32 v21, v54;
	v13 =	vadd.f32 v16, v13;
	v8 =	vadd.f32 $1.128378990e+00, v8  }
0x153: {  	v61 =	vmul.f32 v20, v57;
	v54 =	vmul.f32 v49, v44;
	v12 =	vadd.f32 v58, v12  }
0x154: {  	v8 =	vmul.f32 v8, v51;
	v51 =	vadd.f32 $5.145198200e-03, v11;
	v13 =	vadd.f32 v60, v13  }
0x155: {  	v1 =	vadd.f32 v63, v1;
	v63 =	vmul.f32 v20, v53;
	v11 =	vadd.f32 $-8.764117410e-06, v54  }
0x156: {  	v10 =	vmul.f32 v51, v45;
	v47 =	vsel vm0, v12, v13;
	v51 =	vmul.f32 v22, v56  }
0x157: {  	v8 =	vmul.f32 v8, v48;
	v56 =	vmul.f32 v22, v15;
	v49 =	vand.u32 $0x7FFFFFFF, v47  }
0x158: {  	v48 =	vmul.f32 v35, v59;
	v9 =	vadd.f32 v51, v9;
	v62 =	vmul.f32 $7.071067690e-01, v49  }
0x159: {  	v11 =	vmul.f32 v11, v44;
	v8 =	vadd.f32 v8, v46;
	v1 =	vadd.f32 v56, v1  }
0x15a: {  	v46 =	vmul.f32 v35, v52;
	v9 =	vadd.f32 v61, v9;
	v51 =	vmin.f32 v62, $2.500000000e+00  }
0x15b: {  	v14 =	vld [tilespmem:s29+$0x14880];
	v10 =	vadd.f32 $-2.679741010e-02, v10;
	v1 =	vadd.f32 v63, v1;
	v52 =	vmul.f32 v51, v51  }
0x15c: {  	v13 =	vld [tilespmem:s29+$0x14080];
	v11 =	vadd.f32 $9.827667960e-05, v11;
	v8 =	vmul.f32 $5.000000000e-01, v8;
	v9 =	vadd.f32 v46, v9  }
0x15d: {  	v10 =	vmul.f32 v10, v45;
	v1 =	vadd.f32 v48, v1;
	v57 =	vmul.f32 $1.302284150e-08, v52  }
0x15e: {  	v11 =	vmul.f32 v11, v44;
	v56 =	vshrl.u32 v8, $0x10;
	v9 =	vadd.f32 v58, v9  }
0x15f: {  	v15 =	vand.u32 $0x1, v56;
	v1 =	vadd.f32 v60, v1;
	v12 =	vsub.f32 $4.948811920e-07, v57  }
0x160: {  	v10 =	vadd.f32 $1.128071030e-01, v10;
	v11 =	vadd.f32 $-8.020046520e-04, v11;
	v8 =	vadd.s32 v15, v8  }
0x161: {  	v60 =	vsel vm0, v13, v14;
	v53 =	vsel vm1, v9, v1;
	v59 =	vmul.f32 v12, v52  }
0x162: {  	v10 =	vmul.f32 v10, v45;
	v8 =	vadd.s32 $0x7FFF, v8;
	v54 =	vand.u32 $0x7FFFFFFF, v53  }
0x163: {  	v8 =	vand.u32 $0xFFFF0000, v8;
	v61 =	vmul.f32 $7.071067690e-01, v54;
	v1 =	vadd.f32 $-8.764117410e-06, v59  }
0x164: {  	v0 =	vmul.f32 $5.000000000e-01, v0;
	v62 =	vadd.f32 $-3.761210140e-01, v10;
	v8 =	vmul.f32 v8, v60  }
0x165: {  	v63 =	vmul.f32 v11, v44;
	v48 =	vmin.f32 v61, $2.500000000e+00;
	v1 =	vmul.f32 v1, v52  }
0x166: {  	v43 =	vadd.f32 v8, v50;
	v8 =	vmul.f32 v62, v45;
	v50 =	vmul.f32 v48, v48  }
0x167: {  	v46 =	vsel vm1, v2, v18;
	v12 =	vadd.f32 $5.145198200e-03, v63;
	v1 =	vadd.f32 $9.827667960e-05, v1  }
0x168: {  	s1 =	simm.s32 $0x1000;
	v45 =	vsel vm1, v13, v14;
	v8 =	vadd.f32 $1.128378990e+00, v8;
	v15 =	vmul.f32 $1.302284150e-08, v50  }
0x169: {  	v59 =	vshrl.u32 v0, $0x10;
	v9 =	vmul.f32 v12, v44;
	v61 =	vld [tilespmem:s1+$0xB080];
	v1 =	vmul.f32 v1, v52  }
0x16a: {  	s31 =	simm.s32 $0x5000;
	s30 =	simm.s32 $0x38200;
	s0 =	simm.s32 $0xE080;
	v62 =	vld [tilespmem:s1+$0xB100];
	v11 =	vand.u32 $0x1, v59;
	v56 =	vmul.f32 v8, v55;
	v58 =	vsub.f32 $4.948811920e-07, v15  }
0x16b: {  	s29 =	simm.s32 $0x600;
	v60 =	vld [tilespmem:s1+$0xF100];
	v57 =	vadd.f32 $-2.679741010e-02, v9;
	v55 =	vadd.s32 v11, v0;
	v59 =	vadd.f32 $-8.020046520e-04, v1  }
.LBB2_5:
0x16c: {  	p0 =	sne.s32 s31, $0xF000;
	v0 =	vld [tilespmem:s0+$0x2000];
	v1 =	vmul.f32 v58, v50;
	v8 =	vmul.f32 v56, v37;
	v9 =	vadd.s32 $0x7FFF, v55;
	v37 =	vmovc v41;
	v41 =	vmovc v54  }
0x16d: {  	v10 =	vld [tilespmem:s1+$0xB180];
	v11 =	vmul.f32 v59, v52;
	v12 =	vmul.f32 v57, v44;
	v55 =	vand.u32 $0xFFFF0000, v9  }
0x16e: {  	v9 =	vld [tilespmem:s1+$0xF180];
	v13 =	vmul.f32 v26, v61;
	v1 =	vadd.f32 $-8.764117410e-06, v1;
	v56 =	vadd.f32 v8, v36;
	v36 =	vmovc v40;
	v40 =	vmovc v53  }
0x16f: {  	v15 =	vmul.f32 v28, v61;
	v8 =	vld [tilespmem:s1+$0xB200];
	v14 =	vmul.f32 v25, v62;
	v11 =	vadd.f32 $5.145198200e-03, v11  }
0x170: {  	v53 =	vmul.f32 v34, v62;
	v57 =	vadd.f32 $1.128071030e-01, v12;
	v16 =	vld [tilespmem:s1+$0xF200];
	v54 =	vmul.f32 v34, v60  }
0x171: {  	v12 =	vld [tilespmem:s1+$0xB280];
	v13 =	vadd.f32 v14, v13;
	v14 =	vmul.f32 v28, v0;
	v11 =	vmul.f32 v11, v52  }
0x172: {  	v0 =	vmul.f32 v26, v0;
	v15 =	vadd.f32 v53, v15;
	v58 =	vld [tilespmem:s1+$0xF280];
	v53 =	vmul.f32 v30, v10  }
0x173: {  	v59 =	vld [tilespmem:s1+$0xB300];
	v14 =	vadd.f32 v54, v14;
	v54 =	vmul.f32 v30, v9;
	v11 =	vadd.f32 $-2.679741010e-02, v11  }
0x174: {  	v60 =	vmul.f32 v25, v60;
	v61 =	vld [tilespmem:s1+$0xF300];
	v15 =	vadd.f32 v53, v15;
	v53 =	vmul.f32 v29, v8  }
0x175: {  	v62 =	vld [tilespmem:s1+$0xB380];
	v14 =	vadd.f32 v54, v14;
	v54 =	vmul.f32 v29, v16;
	v11 =	vmul.f32 v11, v52  }
0x176: {  	v0 =	vadd.f32 v60, v0;
	v63 =	vld [tilespmem:s1+$0xF380];
	v15 =	vadd.f32 v53, v15;
	v53 =	vmul.f32 v31, v12  }
0x177: {  	v60 =	vld [tilespmem:s1+$0xB400];
	v14 =	vadd.f32 v54, v14;
	v54 =	vmul.f32 v31, v58;
	v11 =	vadd.f32 $1.128071030e-01, v11  }
0x178: {  	v10 =	vmul.f32 v24, v10;
	v17 =	vld [tilespmem:s1+$0xF400];
	v15 =	vadd.f32 v53, v15;
	v53 =	vmul.f32 v32, v59  }
0x179: {  	s29 =	sadd.s32 $0x200, s29;
	v14 =	vadd.f32 v54, v14;
	v54 =	vmul.f32 v32, v61;
	v11 =	vmul.f32 v11, v52  }
0x17a: {  	v9 =	vmul.f32 v24, v9;
	s1 =	sshra.s32 s29, $0x2;
	v15 =	vadd.f32 v53, v15;
	v53 =	vmul.f32 v27, v62  }
0x17b: {  	v2 =	vld [tilespmem:s1+$0x13080];
	v14 =	vadd.f32 v54, v14;
	v54 =	vmul.f32 v27, v63;
	v11 =	vadd.f32 $-3.761210140e-01, v11  }
0x17c: {  	v10 =	vadd.f32 v10, v13;
	v3 =	vld [tilespmem:s1+$0x13880];
	v13 =	vadd.f32 v53, v15;
	v15 =	vmul.f32 v33, v60  }
0x17d: {  	v14 =	vadd.f32 v54, v14;
	v53 =	vmul.f32 v33, v17;
	v11 =	vmul.f32 v11, v52  }
0x17e: {  	v8 =	vmul.f32 v23, v8;
	v0 =	vadd.f32 v9, v0;
	v9 =	vadd.f32 v15, v13  }
0x17f: {  	v13 =	vmul.f32 v23, v16;
	v14 =	vadd.f32 v53, v14;
	v11 =	vadd.f32 $1.128378990e+00, v11  }
0x180: {  	v8 =	vadd.f32 v8, v10;
	v10 =	vmul.f32 v21, v12;
	v12 =	vmul.f32 v21, v58  }
0x181: {  	v9 =	vadd.f32 v2, v9;
	v14 =	vadd.f32 v3, v14;
	v11 =	vmul.f32 v11, v51  }
0x182: {  	v8 =	vadd.f32 v10, v8;
	v10 =	vmul.f32 v22, v59;
	v0 =	vadd.f32 v13, v0  }
0x183: {  	v13 =	vmul.f32 v22, v61;
	v9 =	vsel vm0, v9, v14;
	v11 =	vmul.f32 v11, v49  }
0x184: {  	v8 =	vadd.f32 v10, v8;
	v0 =	vadd.f32 v12, v0;
	v49 =	vand.u32 $0x7FFFFFFF, v9  }
0x185: {  	v10 =	vmul.f32 v20, v62;
	v12 =	vmul.f32 $7.071067690e-01, v49;
	v11 =	vadd.f32 v11, v47;
	v47 =	vmovc v9  }
0x186: {  	v0 =	vadd.f32 v13, v0;
	v13 =	vmul.f32 v35, v60;
	v9 =	vmul.f32 v20, v63  }
0x187: {  	v8 =	vadd.f32 v10, v8;
	v51 =	vmin.f32 v12, $2.500000000e+00;
	v10 =	vld [tilespmem:s28+$0x14080];
	v11 =	vmul.f32 $5.000000000e-01, v11  }
0x188: {  	v0 =	vadd.f32 v9, v0;
	v9 =	vmul.f32 v35, v17;
	v52 =	vmul.f32 v51, v51;
	v12 =	vld [tilespmem:s28+$0x14880];
	s28 =	smov.u32 s1  }
0x189: {  	v1 =	vmul.f32 v1, v50;
	v8 =	vadd.f32 v13, v8;
	v13 =	vshrl.u32 v11, $0x10  }
0x18a: {  	v0 =	vadd.f32 v9, v0;
	v9 =	vmul.f32 $1.302284150e-08, v52;
	v13 =	vand.u32 $0x1, v13  }
0x18b: {  	v1 =	vadd.f32 $9.827667960e-05, v1;
	v2 =	vadd.f32 v2, v8;
	v8 =	vadd.s32 v13, v11  }
0x18c: {  	v0 =	vadd.f32 v3, v0;
	v3 =	vsub.f32 $4.948811920e-07, v9;
	v8 =	vadd.s32 $0x7FFF, v8  }
0x18d: {  	v1 =	vmul.f32 v1, v50;
	v8 =	vand.u32 $0xFFFF0000, v8;
	v9 =	vsel vm0, v10, v12  }
0x18e: {  	v53 =	vsel vm1, v2, v0;
	v0 =	vmul.f32 v3, v52;
	v2 =	vmul.f32 v8, v9  }
0x18f: {  	v1 =	vadd.f32 $-8.020046520e-04, v1;
	v54 =	vand.u32 $0x7FFFFFFF, v53;
	v3 =	vmul.f32 v57, v44  }
0x190: {  	v8 =	vmul.f32 $7.071067690e-01, v54;
	v0 =	vadd.f32 $-8.764117410e-06, v0;
	v43 =	vadd.f32 v2, v43  }
0x191: {  	v1 =	vmul.f32 v1, v50;
	v2 =	vadd.f32 $-3.761210140e-01, v3;
	v3 =	vmul.f32 $5.000000000e-01, v56  }
0x192: {  	v9 =	vsel vm1, v10, v12;
	v8 =	vmin.f32 v8, $2.500000000e+00;
	v0 =	vmul.f32 v0, v52  }
0x193: {  	v1 =	vadd.f32 $5.145198200e-03, v1;
	v2 =	vmul.f32 v2, v44;
	v44 =	vmovc v50;
	v50 =	vmul.f32 v8, v8  }
.Ltmp1:
0x194: {  	v11 =	vmul.f32 v55, v39;
	v39 =	vmovc v38;
	v38 =	vmovc v45;
	v10 =	vshrl.u32 v3, $0x10;
	v0 =	vadd.f32 $9.827667960e-05, v0;
	(pc) =	sbr.rel @p0 .LBB2_5-.Ltmp1, $4  }
0x195: {  	s1 =	sshra.s32 s31, $0x2;
	v45 =	vmovc v9;
	v1 =	vmul.f32 v1, v44;
	v12 =	vmul.f32 $1.302284150e-08, v50;
	v2 =	vadd.f32 $1.128378990e+00, v2  }
0x196: {  	v46 =	vadd.f32 v11, v46;
	v9 =	vand.u32 $0x1, v10;
	v61 =	vld [tilespmem:s1+$0xB080];
	v0 =	vmul.f32 v0, v52  }
0x197: {  	s30 =	sadd.s32 $0x1000, s30;
	v55 =	vadd.s32 v9, v3;
	v58 =	vsub.f32 $4.948811920e-07, v12;
	v56 =	vmul.f32 v2, v42;
	v42 =	vmovc v48;
	v48 =	vmovc v8;
	v62 =	vld [tilespmem:s1+$0xB100]  }
0x198: {  	s0 =	sshra.s32 s30, $0x2;
	s31 =	sadd.s32 $0x1000, s31;
	v57 =	vadd.f32 $-2.679741010e-02, v1;
	v60 =	vld [tilespmem:s1+$0xF100];
	v59 =	vadd.f32 $-8.020046520e-04, v0  }
0x199: {  	v0 =	vld [tilespmem:s0+$0x2000]  }
0x19a: {  	v1 =	vld [tilespmem:s1+$0xB180]  }
0x19b: {  	v2 =	vld [tilespmem:s1+$0xF180]  }
0x19c: {  	v3 =	vld [tilespmem:s1+$0xB200]  }
0x19d: {  	v12 =	vld [tilespmem:s1+$0xB280];
	v8 =	vmul.f32 v28, v61;
	v14 =	vmul.f32 v26, v61  }
0x19e: {  	v10 =	vmul.f32 v34, v62;
	v16 =	vmul.f32 v25, v62  }
0x19f: {  	v11 =	vmul.f32 v34, v60;
	v61 =	vmul.f32 v25, v60  }
0x1a0: {  	v15 =	vld [tilespmem:s1+$0xF280];
	v13 =	vmul.f32 v28, v0;
	v28 =	vmul.f32 v30, v1  }
0x1a1: {  	v9 =	vld [tilespmem:s1+$0xF200];
	v17 =	vmul.f32 v30, v2;
	v0 =	vmul.f32 v26, v0  }
0x1a2: {  	v25 =	vld [tilespmem:s1+$0xF380];
	v8 =	vadd.f32 v10, v8;
	v34 =	vmul.f32 v29, v3;
	v62 =	vmul.f32 v31, v12  }
0x1a3: {  	v26 =	vld [tilespmem:s1+$0xF300];
	v14 =	vadd.f32 v16, v14;
	v1 =	vmul.f32 v24, v1;
	v2 =	vmul.f32 v24, v2  }
0x1a4: {  	v16 =	vld [tilespmem:s1+$0xB380];
	v3 =	vmul.f32 v23, v3;
	v11 =	vadd.f32 v11, v13;
	v8 =	vadd.f32 v28, v8  }
0x1a5: {  	v60 =	vmul.f32 v21, v15;
	v13 =	vld [tilespmem:s1+$0xB300];
	v0 =	vadd.f32 v61, v0;
	v1 =	vadd.f32 v1, v14  }
0x1a6: {  	v11 =	vadd.f32 v17, v11;
	v17 =	vmul.f32 v29, v9;
	v8 =	vadd.f32 v34, v8  }
0x1a7: {  	v0 =	vadd.f32 v2, v0;
	v1 =	vadd.f32 v3, v1;
	v3 =	vmul.f32 v21, v12  }
0x1a8: {  	v28 =	vld [tilespmem:s1+$0xB400];
	v34 =	vmul.f32 v27, v25;
	v11 =	vadd.f32 v17, v11;
	v17 =	vmul.f32 v31, v15  }
0x1a9: {  	v29 =	vld [tilespmem:s1+$0xF400];
	v30 =	vmul.f32 v27, v16;
	v8 =	vadd.f32 v62, v8;
	v31 =	vmul.f32 v23, v9  }
0x1aa: {  	s31 =	sadd.s32 $0x200, s29;
	v63 =	vmul.f32 v32, v13;
	v11 =	vadd.f32 v17, v11;
	v17 =	vmul.f32 v32, v26  }
0x1ab: {  	s29 =	sshra.s32 s31, $0x2;
	v21 =	vmul.f32 v22, v26;
	v1 =	vadd.f32 v3, v1;
	v0 =	vadd.f32 v31, v0  }
0x1ac: {  	v61 =	vld [tilespmem:s29+$0x13080];
	v23 =	vmul.f32 v20, v25;
	v8 =	vadd.f32 v63, v8;
	v32 =	vadd.f32 v17, v11  }
0x1ad: {  	v62 =	vld [tilespmem:s29+$0x13880];
	v3 =	vmul.f32 v22, v13;
	v63 =	vmul.f32 v33, v28;
	v0 =	vadd.f32 v60, v0  }
0x1ae: {  	v22 =	vmul.f32 v33, v29;
	v8 =	vadd.f32 v30, v8;
	v9 =	vadd.f32 v34, v32  }
0x1af: {  	v1 =	vadd.f32 v3, v1;
	v3 =	vmul.f32 v20, v16;
	v0 =	vadd.f32 v21, v0  }
0x1b0: {  	v24 =	vmul.f32 v35, v28;
	v8 =	vadd.f32 v63, v8;
	v9 =	vadd.f32 v22, v9  }
0x1b1: {  	v1 =	vadd.f32 v3, v1;
	v3 =	vmul.f32 v35, v29;
	v0 =	vadd.f32 v23, v0  }
0x1b2: {  	v8 =	vadd.f32 v61, v8;
	v9 =	vadd.f32 v62, v9  }
0x1b3: {  	v1 =	vadd.f32 v24, v1;
	v0 =	vadd.f32 v3, v0  }
0x1b4: {  	v3 =	vsel vm0, v8, v9  }
0x1b5: {  	v1 =	vadd.f32 v61, v1;
	v0 =	vadd.f32 v62, v0;
	v8 =	vand.u32 $0x7FFFFFFF, v3  }
0x1b6: {  	v25 =	vmul.f32 $7.071067690e-01, v8  }
0x1b7: {  	v0 =	vsel vm1, v1, v0  }
0x1b8: {  	v27 =	vand.u32 $0x7FFFFFFF, v0;
	v2 =	vmin.f32 v25, $2.500000000e+00  }
0x1b9: {  	v29 =	vmul.f32 $7.071067690e-01, v27;
	v28 =	vmul.f32 v2, v2;
	_ =	sdelay $0x1  }
0x1ba: {  	v33 =	vmul.f32 v58, v50;
	v11 =	vmin.f32 v29, $2.500000000e+00;
	v30 =	vmul.f32 $1.302284150e-08, v28  }
0x1bb: {  	v31 =	vmul.f32 v11, v11  }
0x1bc: {  	v15 =	vadd.f32 $-8.764117410e-06, v33;
	v12 =	vsub.f32 $4.948811920e-07, v30  }
0x1bd: {  	v32 =	vmul.f32 $1.302284150e-08, v31  }
0x1be: {  	v15 =	vmul.f32 v15, v50;
	v12 =	vmul.f32 v12, v28  }
0x1bf: {  	v14 =	vsub.f32 $4.948811920e-07, v32  }
0x1c0: {  	v15 =	vadd.f32 $9.827667960e-05, v15;
	v12 =	vadd.f32 $-8.764117410e-06, v12  }
0x1c1: {  	v26 =	vmul.f32 v59, v52;
	v14 =	vmul.f32 v14, v31  }
0x1c2: {  	v15 =	vmul.f32 v15, v50;
	v12 =	vmul.f32 v12, v28  }
0x1c3: {  	v1 =	vadd.f32 $5.145198200e-03, v26;
	v14 =	vadd.f32 $-8.764117410e-06, v14  }
0x1c4: {  	v15 =	vadd.f32 $-8.020046520e-04, v15;
	v12 =	vadd.f32 $9.827667960e-05, v12  }
0x1c5: {  	v1 =	vmul.f32 v1, v52;
	v14 =	vmul.f32 v14, v31  }
0x1c6: {  	v15 =	vmul.f32 v15, v50;
	v12 =	vmul.f32 v12, v28  }
0x1c7: {  	v1 =	vadd.f32 $-2.679741010e-02, v1;
	v14 =	vadd.f32 $9.827667960e-05, v14  }
0x1c8: {  	v15 =	vadd.f32 $5.145198200e-03, v15;
	v12 =	vadd.f32 $-8.020046520e-04, v12  }
0x1c9: {  	v1 =	vmul.f32 v1, v52;
	v14 =	vmul.f32 v14, v31  }
0x1ca: {  	v15 =	vmul.f32 v15, v50;
	v12 =	vmul.f32 v12, v28  }
0x1cb: {  	v1 =	vadd.f32 $1.128071030e-01, v1;
	v14 =	vadd.f32 $-8.020046520e-04, v14  }
0x1cc: {  	v16 =	vmul.f32 v57, v44;
	v15 =	vadd.f32 $-2.679741010e-02, v15;
	v12 =	vadd.f32 $5.145198200e-03, v12  }
0x1cd: {  	v1 =	vmul.f32 v1, v52;
	v14 =	vmul.f32 v14, v31  }
0x1ce: {  	v16 =	vadd.f32 $1.128071030e-01, v16;
	v15 =	vmul.f32 v15, v50;
	v12 =	vmul.f32 v12, v28  }
0x1cf: {  	v1 =	vadd.f32 $-3.761210140e-01, v1;
	v14 =	vadd.f32 $5.145198200e-03, v14  }
0x1d0: {  	v17 =	vmul.f32 v56, v37;
	v15 =	vadd.f32 $1.128071030e-01, v15;
	v12 =	vadd.f32 $-2.679741010e-02, v12  }
0x1d1: {  	v58 =	vld [tilespmem:s29+$0x14080];
	v34 =	vadd.s32 $0x7FFF, v55;
	v1 =	vmul.f32 v1, v52;
	v14 =	vmul.f32 v14, v31  }
0x1d2: {  	v60 =	vld [tilespmem:s29+$0x14880];
	v17 =	vadd.f32 v17, v36;
	v15 =	vmul.f32 v15, v50;
	v12 =	vmul.f32 v12, v28  }
0x1d3: {  	v16 =	vmul.f32 v16, v44;
	v1 =	vadd.f32 $1.128378990e+00, v1;
	v14 =	vadd.f32 $-2.679741010e-02, v14  }
0x1d4: {  	v17 =	vmul.f32 $5.000000000e-01, v17;
	v15 =	vadd.f32 $-3.761210140e-01, v15;
	v12 =	vadd.f32 $1.128071030e-01, v12  }
0x1d5: {  	v21 =	vand.u32 $0xFFFF0000, v34;
	v1 =	vmul.f32 v1, v51;
	v14 =	vmul.f32 v14, v31  }
0x1d6: {  	v16 =	vadd.f32 $-3.761210140e-01, v16;
	v15 =	vmul.f32 v15, v50;
	v12 =	vmul.f32 v12, v28  }
0x1d7: {  	v63 =	vsel vm1, v58, v60;
	v1 =	vmul.f32 v1, v49;
	v14 =	vadd.f32 $1.128071030e-01, v14  }
0x1d8: {  	v37 =	vshrl.u32 v17, $0x10;
	v15 =	vadd.f32 $1.128378990e+00, v15;
	v12 =	vadd.f32 $-3.761210140e-01, v12  }
0x1d9: {  	v16 =	vmul.f32 v16, v44;
	v1 =	vadd.f32 v1, v47;
	v14 =	vmul.f32 v14, v31  }
0x1da: {  	v44 =	vand.u32 $0x1, v37;
	v48 =	vmul.f32 v15, v48;
	v10 =	vmul.f32 v12, v28  }
0x1db: {  	v36 =	vadd.f32 $1.128378990e+00, v16;
	v1 =	vmul.f32 $5.000000000e-01, v1;
	v14 =	vadd.f32 $-3.761210140e-01, v14  }
0x1dc: {  	v51 =	vmul.f32 v21, v39;
	v50 =	vmul.f32 v48, v54;
	v10 =	vadd.f32 $1.128378990e+00, v10  }
0x1dd: {  	v20 =	vshrl.u32 v1, $0x10;
	v12 =	vmul.f32 v36, v42;
	v13 =	vmul.f32 v14, v31  }
0x1de: {  	v35 =	vld [tilespmem:s28+$0x14080];
	v54 =	vadd.f32 v51, v46;
	v20 =	vand.u32 $0x1, v20;
	v2 =	vmul.f32 v10, v2  }
0x1df: {  	v1 =	vadd.s32 v20, v1;
	v20 =	vld [tilespmem:s28+$0x14880];
	v47 =	vmul.f32 v12, v41;
	v13 =	vadd.f32 $1.128378990e+00, v13  }
0x1e0: {  	v1 =	vadd.s32 $0x7FFF, v1;
	v14 =	vadd.s32 v44, v17;
	v2 =	vmul.f32 v2, v8  }
0x1e1: {  	v52 =	vadd.s32 $0x7FFF, v14;
	v8 =	vadd.f32 v47, v40;
	v11 =	vmul.f32 v13, v11  }
0x1e2: {  	v1 =	vand.u32 $0xFFFF0000, v1;
	v55 =	vand.u32 $0xFFFF0000, v52;
	v2 =	vadd.f32 v2, v3  }
0x1e3: {  	v3 =	vmul.f32 $5.000000000e-01, v8;
	v8 =	vadd.f32 v50, v53;
	v9 =	vmul.f32 v11, v27  }
0x1e4: {  	v16 =	vsel vm0, v35, v20;
	v49 =	vsel vm1, v35, v20;
	v11 =	vmul.f32 v55, v38  }
0x1e5: {  	v56 =	vshrl.u32 v3, $0x10;
	v8 =	vmul.f32 $5.000000000e-01, v8;
	v0 =	vadd.f32 v9, v0  }
0x1e6: {  	v2 =	vmul.f32 $5.000000000e-01, v2;
	v10 =	vadd.f32 v11, v54;
	v12 =	vand.u32 $0x1, v56  }
0x1e7: {  	v3 =	vadd.s32 v12, v3;
	v59 =	vshrl.u32 v8, $0x10;
	v0 =	vmul.f32 $5.000000000e-01, v0  }
0x1e8: {  	v57 =	vshrl.u32 v2, $0x10;
	v3 =	vadd.s32 $0x7FFF, v3;
	v61 =	vand.u32 $0x1, v59  }
0x1e9: {  	v3 =	vand.u32 $0xFFFF0000, v3;
	v8 =	vadd.s32 v61, v8;
	v62 =	vshrl.u32 v0, $0x10  }
0x1ea: {  	v3 =	vmul.f32 v3, v45;
	v8 =	vadd.s32 $0x7FFF, v8;
	v11 =	vand.u32 $0x1, v62  }
0x1eb: {  	v9 =	vand.u32 $0x1, v57;
	v8 =	vand.u32 $0xFFFF0000, v8;
	v0 =	vadd.s32 v11, v0  }
0x1ec: {  	v3 =	vadd.f32 v3, v10;
	v8 =	vmul.f32 v8, v49;
	v0 =	vadd.s32 $0x7FFF, v0  }
0x1ed: {  	v1 =	vmul.f32 v1, v16;
	v2 =	vadd.s32 v9, v2;
	v0 =	vand.u32 $0xFFFF0000, v0  }
0x1ee: {  	s26 =	sadd.s32 $0x1, s26;
	v2 =	vadd.s32 $0x7FFF, v2;
	v3 =	vadd.f32 v8, v3;
	v0 =	vmul.f32 v0, v63  }
0x1ef: {  	p0 =	sne.s32 s26, $0x20;
	v2 =	vand.u32 $0xFFFF0000, v2;
	v8 =	vsel vm0, v58, v60  }
.Ltmp2:
0x1f0: {  	v1 =	vadd.f32 v1, v43;
	v2 =	vmul.f32 v2, v8;
	v0 =	vadd.f32 v0, v3;
	(pc) =	sbr.rel @p0 .LBB2_2-.Ltmp2, $3  }
0x1f1: {  	_ = 	snop  }
0x1f2: {  	v1 =	vadd.f32 v2, v1;
	v0 =	vadd.f32 v0, v19;
	_ =	sdelay $0x1  }
0x1f3: {  	v19 =	vadd.f32 v1, v0  }
0x1f4: {  	s25 =	sadd.s32 $0x1, s25  }
0x1f5: {  	p0 =	sne.s32 s25, s13  }
.Ltmp3:
0x1f6: {  	[tilespmem:$0x15800] =	vst v19;
	(pc) =	sbr.rel @p0 .LBB2_1-.Ltmp3, $4  }
0x1f7: {  	[hbm4b:s12+s2] =	stream.linear.scatter [tilespmem:s24], [sflag:$0x1], $0x80, $0x38;
	[tilespmem:$0x15880] =	vst v63  }
0x1f8: {  	_ =	swait.ge [sflag:s16], $0x80  }
0x1f9: {  	[sflag:s16] =	ssyncset.done $0x0  }
0x1fa: {  	[sflag:s16] =	ssyncadd.s32 $0xFFFFFF80  }
0x1fb: {  	_ =	sfence.sel $0x180000  }
0x1fc: {  	[bflag:$0x0] =	sbarrier.arrive $0xFFFF  }
0x1fd: {  	_ =	strace $0x90000047  }
0x1fe: {  	s0 =	stileid.u32;
	[bflag:$0x2] =	sbarrier.arrive $0xFFFF  }
0x1ff: {  	p0 =	sne.s32 s0, $0x0;
	s0 =	rddreg [dreg:$0x1]  }
0x200: {  	s0 =	sadd.s32 @!p0 $0x100000, s0  }
0x201: {  	[sflag:s0] =	ssyncadd.tile.s32 @!p0 $0x1;
	_ =	shalt  }
.Lfunc_end2:
_tile_overlayer_lowered:
.L_overlay_start_2:
0x202: {  	(tag) =	ssettag $0x2  }
0x203: {  	s0 =	rddreg [dreg:$0x0];
	s2 =	stileid.u32  }
0x204: {  	s1 =	rddreg [dreg:$0x1];
	p0 =	sne.s32 s2, $0x0  }
0x205: {  	s3 =	rddreg [dreg:$0x2];
	[bflag:$0x3] =	sbarrier.arrive $0xFFFF;
	s2 =	simm.s32 @!p0 $0x1C01  }
0x206: {  	[timem:s3], [sflag:s2] =	dma.local @!p0 [hbm:s0], s1  }
0x207: {  	s0 =	simm.s32 @!p0 $0x1  }
0x208: {  	_ =	swait.ge @!p0 [sflag:s0], s1  }
0x209: {  	s1 =	ssub.s32 @!p0 $0x0, s1;
	[sflag:s0] =	ssyncset.done @!p0 $0x0  }
0x20a: {  	[sflag:s0] =	ssyncadd.s32 @!p0 s1  }
0x20b: {  	[bflag:$0x3] =	sbarrier.arrive $0xFFFF  }
0x20c: {  	_ =	shalt  }

</sc_bundles>
